<compile_context>
chip_gen: v7x
topology: tpu7x:2x2x1
jax: 0.10.2.dev20260603
libtpu: 0.0.44.dev20260713+nightly
codegen_flags: <defaults>
</compile_context>

<pallas_src>
import functools

import jax
import jax.numpy as jnp
from jax import lax
from jax.experimental import pallas as pl
from jax.experimental.pallas import tpu as pltpu
from jax.experimental.pallas import tpu_sc as plsc

NC = 2
NS = 16
NW = NC * NS

RPS = 16


def _emb_call(n_tok, s, d):
    mesh = plsc.VectorSubcoreMesh(core_axis_name="c", subcore_axis_name="s")
    rows_per_w = n_tok // NW
    n_slabs = rows_per_w // RPS

    @functools.partial(
        pl.kernel,
        mesh=mesh,
        out_type=jax.ShapeDtypeStruct((n_tok, s, d), jnp.float32),
        scratch_types=[
            pltpu.VMEM((rows_per_w, s), jnp.int32),
            pltpu.VMEM((2, RPS, s, d), jnp.float32),
            pltpu.SemaphoreType.DMA,
            pltpu.SemaphoreType.DMA,
            pltpu.SemaphoreType.DMA,
            pltpu.SemaphoreType.DMA,
        ],
        compiler_params=pltpu.CompilerParams(use_tc_tiling_on_sc=False),
    )
    def emb(idx_hbm, table_hbm, out_hbm, idx_v, rows_v, g_sem0, g_sem1,
            s_sem0, s_sem1):
        wid = lax.axis_index("s") * NC + lax.axis_index("c")
        base = wid * rows_per_w
        pltpu.sync_copy(idx_hbm.at[pl.ds(base, rows_per_w)], idx_v)

        def fire(g, b, g_sem):
            for j in range(RPS):
                pltpu.async_copy(
                    table_hbm.at[idx_v.at[g * RPS + j]],
                    rows_v.at[b].at[j],
                    g_sem,
                )

        def drain(b, g_sem):
            pltpu.make_async_copy(
                out_hbm.at[pl.ds(0, RPS)], rows_v.at[b], g_sem
            ).wait()

        def store(g, b, s_sem):
            pltpu.async_copy(
                rows_v.at[b], out_hbm.at[pl.ds(base + g * RPS, RPS)], s_sem
            )

        def wait_store(b, s_sem):
            pltpu.make_async_copy(
                out_hbm.at[pl.ds(0, RPS)], rows_v.at[b], s_sem
            ).wait()

        fire(0, 0, g_sem0)

        def body(g, carry):
            b = lax.rem(g, 2)

            @pl.when(b == 0)
            def _even():
                @pl.when(g >= 1)
                def _():
                    wait_store(1, s_sem1)
                fire(g + 1, 1, g_sem1)
                drain(0, g_sem0)
                store(g, 0, s_sem0)

            @pl.when(b == 1)
            def _odd():
                wait_store(0, s_sem0)
                fire(g + 1, 0, g_sem0)
                drain(1, g_sem1)
                store(g, 1, s_sem1)

            return carry

        lax.fori_loop(0, n_slabs - 1, body, 0)

        g_last = n_slabs - 1
        b_last = g_last % 2
        g_sem_last = g_sem0 if b_last == 0 else g_sem1
        s_sem_last = s_sem0 if b_last == 0 else s_sem1
        drain(b_last, g_sem_last)
        if n_slabs > 1:
            b_prev = 1 - b_last
            wait_store(b_prev, s_sem0 if b_prev == 0 else s_sem1)
        store(g_last, b_last, s_sem_last)
        wait_store(b_last, s_sem_last)

    return emb


def kernel(token_ids, weight):
    n_tok, s = token_ids.shape
    n, d = weight.shape
    return _emb_call(n_tok, s, d)(token_ids, weight)

# --- scband reference (transcript-rebuilt; emitter-appended) ---
"""Pipeline reference for scband-embedding-24713241821220 (READ-ONLY COPY).

The authoritative reference and input builder live on the scoring server;
editing this copy changes nothing except your own understanding.
"""

import jax, jax.numpy as jnp
import numpy as np

NUM_EMBEDDINGS = 1000000
EMBEDDING_DIM = 32

def setup_inputs(seed: int = 0) -> dict:
    key = jax.random.key(seed)
    k_idx, k_w = jax.random.split(key)
    token_ids = jax.random.randint(k_idx, (16384, 50), 0, NUM_EMBEDDINGS, dtype=jnp.int64 if jax.config.jax_enable_x64 else jnp.int32)
    weight = jax.random.truncated_normal(k_w, -3.0, 3.0, (NUM_EMBEDDINGS, EMBEDDING_DIM), dtype=jnp.float32)
    return {"token_ids": token_ids, "weight": weight}

def reference(token_ids, weight):
    # Faithful translation of Embedding.__call__: self.weight[token_ids]
    return jnp.take(weight, token_ids, axis=0)

if __name__ == "__main__":
    import jax
    _d = setup_inputs()
    print(jax.jit(kernel)(*tuple(_d.values())))

</pallas_src>

<mosaic_0001>
#map = affine_map<(d0, d1) -> (0, 0)>
#map1 = affine_map<(d0, d1) -> (0, 0, 0)>
module attributes {stable_mosaic.version = 14 : i64} {
  func.func @emb(%arg0: i32, %arg1: i32, %arg2: memref<16384x50xi32, #tpu.memory_space<hbm>>, %arg3: memref<1000000x32xf32, #tpu.memory_space<hbm>>, %arg4: memref<16384x50x32xf32, #tpu.memory_space<hbm>>, %arg5: memref<512x50xi32, #tpu.memory_space<vmem>>, %arg6: memref<2x16x50x32xf32, #tpu.memory_space<vmem>>, %arg7: memref<!tpu.dma_semaphore, #tpu.memory_space<semaphore_mem>>, %arg8: memref<!tpu.dma_semaphore, #tpu.memory_space<semaphore_mem>>, %arg9: memref<!tpu.dma_semaphore, #tpu.memory_space<semaphore_mem>>, %arg10: memref<!tpu.dma_semaphore, #tpu.memory_space<semaphore_mem>>) attributes {dimension_semantics = [#tpu.dimension_semantics<core_parallel>, #tpu.dimension_semantics<subcore_parallel>], iteration_bounds = array<i64: 2, 16>, scalar_prefetch = 0 : i64, scratch_operands = 6 : i64, tpu.core_type = #tpu.core_type<sc_vector_subcore>, window_params = [{transform_indices = #map}, {transform_indices = #map}, {transform_indices = #map1}]} {
    %mul3A = arith.constant 2 : i32
    %mul3A_0 = arith.muli %arg1, %mul3A : i32
    %add3A = arith.addi %mul3A_0, %arg0 : i32
    %mul3A_1 = arith.constant 512 : i32
    %mul3A_2 = arith.muli %add3A, %mul3A_1 : i32
    "tpu.region"() ({
      %run_scoped3A = tpu.sem_alloc : memref<!tpu.dma_semaphore, #tpu.memory_space<semaphore_mem>>
      %dma_start3A_370 = arith.constant 0 : i32
      %dma_start3A_371 = tpu.memref_slice %arg2[%mul3A_2, %dma_start3A_370] : memref<16384x50xi32, #tpu.memory_space<hbm>> -> memref<512x50xi32, #tpu.memory_space<hbm>>
      %dma_start3A_372 = arith.constant 0 : i32
      %dma_start3A_373 = tpu.memref_slice %arg2[%mul3A_2, %dma_start3A_372] : memref<16384x50xi32, #tpu.memory_space<hbm>> -> memref<512x50xi32, #tpu.memory_space<hbm>>
      tpu.enqueue_dma source(%dma_start3A_373 : memref<512x50xi32, #tpu.memory_space<hbm>>) target(%arg5 : memref<512x50xi32, #tpu.memory_space<vmem>>) target_semaphore(%run_scoped3A : memref<!tpu.dma_semaphore, #tpu.memory_space<semaphore_mem>>)
      %dma_wait3A_374 = arith.constant 0 : i32
      %dma_wait3A_375 = tpu.memref_slice %arg2[%mul3A_2, %dma_wait3A_374] : memref<16384x50xi32, #tpu.memory_space<hbm>> -> memref<512x50xi32, #tpu.memory_space<hbm>>
      %dma_wait3A_376 = arith.constant 0 : i32
      %dma_wait3A_377 = tpu.memref_slice %arg2[%mul3A_2, %dma_wait3A_376] : memref<16384x50xi32, #tpu.memory_space<hbm>> -> memref<512x50xi32, #tpu.memory_space<hbm>>
      tpu.wait_dma2 semaphore(%run_scoped3A : memref<!tpu.dma_semaphore, #tpu.memory_space<semaphore_mem>>) src(%dma_wait3A_377 : memref<512x50xi32, #tpu.memory_space<hbm>>) dst(%arg5 : memref<512x50xi32, #tpu.memory_space<vmem>>)
      tpu.yield
    }) : () -> ()
    %dma_start3A = arith.constant 0 : i32
    %dma_start3A_3 = arith.constant 0 : i32
    %dma_start3A_4 = arith.constant 0 : i32
    %dma_start3A_5 = arith.constant 0 : i32
    %dma_start3A_6 = arith.constant 0 : i32
    %dma_start3A_7 = arith.constant 0 : i32
    %dma_start3A_8 = tpu.memref_slice %arg6[%dma_start3A_3, %dma_start3A_5, %dma_start3A_6, %dma_start3A_7] : memref<2x16x50x32xf32, #tpu.memory_space<vmem>> -> memref<1x16x50x32xf32, #tpu.memory_space<vmem>>
    %dma_start3A_9 = tpu.memref_squeeze %dma_start3A_8 : memref<1x16x50x32xf32, #tpu.memory_space<vmem>> -> memref<16x50x32xf32, #tpu.memory_space<vmem>>
    %dma_start3A_10 = arith.constant 0 : i32
    %dma_start3A_11 = arith.constant 0 : i32
    %dma_start3A_12 = tpu.memref_slice %dma_start3A_9[%dma_start3A_4, %dma_start3A_10, %dma_start3A_11] : memref<16x50x32xf32, #tpu.memory_space<vmem>> -> memref<1x50x32xf32, #tpu.memory_space<vmem>>
    %dma_start3A_13 = tpu.memref_squeeze %dma_start3A_12 : memref<1x50x32xf32, #tpu.memory_space<vmem>> -> memref<50x32xf32, #tpu.memory_space<vmem>>
    %dma_start3A_14 = arith.constant 0 : i32
    %dma_start3A_15 = tpu.memref_slice %arg5[%dma_start3A, %dma_start3A_14] : memref<512x50xi32, #tpu.memory_space<vmem>> -> memref<1x50xi32, #tpu.memory_space<vmem>>
    %dma_start3A_16 = tpu.memref_squeeze %dma_start3A_15 : memref<1x50xi32, #tpu.memory_space<vmem>> -> memref<50xi32, #tpu.memory_space<vmem>>
    %dma_start3A_17 = arith.constant 0 : i32
    %dma_start3A_18 = arith.constant 0 : i32
    %dma_start3A_19 = tpu.memref_slice %arg3[%dma_start3A_17, %dma_start3A_18] : memref<1000000x32xf32, #tpu.memory_space<hbm>> -> memref<1000000x32xf32, #tpu.memory_space<hbm>>
    tpu.enqueue_indirect_dma source(%dma_start3A_19 : memref<1000000x32xf32, #tpu.memory_space<hbm>>) target(%dma_start3A_13 : memref<50x32xf32, #tpu.memory_space<vmem>>) offsets(%dma_start3A_16 : memref<50xi32, #tpu.memory_space<vmem>>) semaphore(%arg7 : memref<!tpu.dma_semaphore, #tpu.memory_space<semaphore_mem>>)
    %dma_start3A_20 = arith.constant 1 : i32
    %dma_start3A_21 = arith.constant 0 : i32
    %dma_start3A_22 = arith.constant 1 : i32
    %dma_start3A_23 = arith.constant 0 : i32
    %dma_start3A_24 = arith.constant 0 : i32
    %dma_start3A_25 = arith.constant 0 : i32
    %dma_start3A_26 = tpu.memref_slice %arg6[%dma_start3A_21, %dma_start3A_23, %dma_start3A_24, %dma_start3A_25] : memref<2x16x50x32xf32, #tpu.memory_space<vmem>> -> memref<1x16x50x32xf32, #tpu.memory_space<vmem>>
    %dma_start3A_27 = tpu.memref_squeeze %dma_start3A_26 : memref<1x16x50x32xf32, #tpu.memory_space<vmem>> -> memref<16x50x32xf32, #tpu.memory_space<vmem>>
    %dma_start3A_28 = arith.constant 0 : i32
    %dma_start3A_29 = arith.constant 0 : i32
    %dma_start3A_30 = tpu.memref_slice %dma_start3A_27[%dma_start3A_22, %dma_start3A_28, %dma_start3A_29] : memref<16x50x32xf32, #tpu.memory_space<vmem>> -> memref<1x50x32xf32, #tpu.memory_space<vmem>>
    %dma_start3A_31 = tpu.memref_squeeze %dma_start3A_30 : memref<1x50x32xf32, #tpu.memory_space<vmem>> -> memref<50x32xf32, #tpu.memory_space<vmem>>
    %dma_start3A_32 = arith.constant 0 : i32
    %dma_start3A_33 = tpu.memref_slice %arg5[%dma_start3A_20, %dma_start3A_32] : memref<512x50xi32, #tpu.memory_space<vmem>> -> memref<1x50xi32, #tpu.memory_space<vmem>>
    %dma_start3A_34 = tpu.memref_squeeze %dma_start3A_33 : memref<1x50xi32, #tpu.memory_space<vmem>> -> memref<50xi32, #tpu.memory_space<vmem>>
    %dma_start3A_35 = arith.constant 0 : i32
    %dma_start3A_36 = arith.constant 0 : i32
    %dma_start3A_37 = tpu.memref_slice %arg3[%dma_start3A_35, %dma_start3A_36] : memref<1000000x32xf32, #tpu.memory_space<hbm>> -> memref<1000000x32xf32, #tpu.memory_space<hbm>>
    tpu.enqueue_indirect_dma source(%dma_start3A_37 : memref<1000000x32xf32, #tpu.memory_space<hbm>>) target(%dma_start3A_31 : memref<50x32xf32, #tpu.memory_space<vmem>>) offsets(%dma_start3A_34 : memref<50xi32, #tpu.memory_space<vmem>>) semaphore(%arg7 : memref<!tpu.dma_semaphore, #tpu.memory_space<semaphore_mem>>)
    %dma_start3A_38 = arith.constant 2 : i32
    %dma_start3A_39 = arith.constant 0 : i32
    %dma_start3A_40 = arith.constant 2 : i32
    %dma_start3A_41 = arith.constant 0 : i32
    %dma_start3A_42 = arith.constant 0 : i32
    %dma_start3A_43 = arith.constant 0 : i32
    %dma_start3A_44 = tpu.memref_slice %arg6[%dma_start3A_39, %dma_start3A_41, %dma_start3A_42, %dma_start3A_43] : memref<2x16x50x32xf32, #tpu.memory_space<vmem>> -> memref<1x16x50x32xf32, #tpu.memory_space<vmem>>
    %dma_start3A_45 = tpu.memref_squeeze %dma_start3A_44 : memref<1x16x50x32xf32, #tpu.memory_space<vmem>> -> memref<16x50x32xf32, #tpu.memory_space<vmem>>
    %dma_start3A_46 = arith.constant 0 : i32
    %dma_start3A_47 = arith.constant 0 : i32
    %dma_start3A_48 = tpu.memref_slice %dma_start3A_45[%dma_start3A_40, %dma_start3A_46, %dma_start3A_47] : memref<16x50x32xf32, #tpu.memory_space<vmem>> -> memref<1x50x32xf32, #tpu.memory_space<vmem>>
    %dma_start3A_49 = tpu.memref_squeeze %dma_start3A_48 : memref<1x50x32xf32, #tpu.memory_space<vmem>> -> memref<50x32xf32, #tpu.memory_space<vmem>>
    %dma_start3A_50 = arith.constant 0 : i32
    %dma_start3A_51 = tpu.memref_slice %arg5[%dma_start3A_38, %dma_start3A_50] : memref<512x50xi32, #tpu.memory_space<vmem>> -> memref<1x50xi32, #tpu.memory_space<vmem>>
    %dma_start3A_52 = tpu.memref_squeeze %dma_start3A_51 : memref<1x50xi32, #tpu.memory_space<vmem>> -> memref<50xi32, #tpu.memory_space<vmem>>
    %dma_start3A_53 = arith.constant 0 : i32
    %dma_start3A_54 = arith.constant 0 : i32
    %dma_start3A_55 = tpu.memref_slice %arg3[%dma_start3A_53, %dma_start3A_54] : memref<1000000x32xf32, #tpu.memory_space<hbm>> -> memref<1000000x32xf32, #tpu.memory_space<hbm>>
    tpu.enqueue_indirect_dma source(%dma_start3A_55 : memref<1000000x32xf32, #tpu.memory_space<hbm>>) target(%dma_start3A_49 : memref<50x32xf32, #tpu.memory_space<vmem>>) offsets(%dma_start3A_52 : memref<50xi32, #tpu.memory_space<vmem>>) semaphore(%arg7 : memref<!tpu.dma_semaphore, #tpu.memory_space<semaphore_mem>>)
    %dma_start3A_56 = arith.constant 3 : i32
    %dma_start3A_57 = arith.constant 0 : i32
    %dma_start3A_58 = arith.constant 3 : i32
    %dma_start3A_59 = arith.constant 0 : i32
    %dma_start3A_60 = arith.constant 0 : i32
    %dma_start3A_61 = arith.constant 0 : i32
    %dma_start3A_62 = tpu.memref_slice %arg6[%dma_start3A_57, %dma_start3A_59, %dma_start3A_60, %dma_start3A_61] : memref<2x16x50x32xf32, #tpu.memory_space<vmem>> -> memref<1x16x50x32xf32, #tpu.memory_space<vmem>>
    %dma_start3A_63 = tpu.memref_squeeze %dma_start3A_62 : memref<1x16x50x32xf32, #tpu.memory_space<vmem>> -> memref<16x50x32xf32, #tpu.memory_space<vmem>>
    %dma_start3A_64 = arith.constant 0 : i32
    %dma_start3A_65 = arith.constant 0 : i32
    %dma_start3A_66 = tpu.memref_slice %dma_start3A_63[%dma_start3A_58, %dma_start3A_64, %dma_start3A_65] : memref<16x50x32xf32, #tpu.memory_space<vmem>> -> memref<1x50x32xf32, #tpu.memory_space<vmem>>
    %dma_start3A_67 = tpu.memref_squeeze %dma_start3A_66 : memref<1x50x32xf32, #tpu.memory_space<vmem>> -> memref<50x32xf32, #tpu.memory_space<vmem>>
    %dma_start3A_68 = arith.constant 0 : i32
    %dma_start3A_69 = tpu.memref_slice %arg5[%dma_start3A_56, %dma_start3A_68] : memref<512x50xi32, #tpu.memory_space<vmem>> -> memref<1x50xi32, #tpu.memory_space<vmem>>
    %dma_start3A_70 = tpu.memref_squeeze %dma_start3A_69 : memref<1x50xi32, #tpu.memory_space<vmem>> -> memref<50xi32, #tpu.memory_space<vmem>>
    %dma_start3A_71 = arith.constant 0 : i32
    %dma_start3A_72 = arith.constant 0 : i32
    %dma_start3A_73 = tpu.memref_slice %arg3[%dma_start3A_71, %dma_start3A_72] : memref<1000000x32xf32, #tpu.memory_space<hbm>> -> memref<1000000x32xf32, #tpu.memory_space<hbm>>
    tpu.enqueue_indirect_dma source(%dma_start3A_73 : memref<1000000x32xf32, #tpu.memory_space<hbm>>) target(%dma_start3A_67 : memref<50x32xf32, #tpu.memory_space<vmem>>) offsets(%dma_start3A_70 : memref<50xi32, #tpu.memory_space<vmem>>) semaphore(%arg7 : memref<!tpu.dma_semaphore, #tpu.memory_space<semaphore_mem>>)
    %dma_start3A_74 = arith.constant 4 : i32
    %dma_start3A_75 = arith.constant 0 : i32
    %dma_start3A_76 = arith.constant 4 : i32
    %dma_start3A_77 = arith.constant 0 : i32
    %dma_start3A_78 = arith.constant 0 : i32
    %dma_start3A_79 = arith.constant 0 : i32
    %dma_start3A_80 = tpu.memref_slice %arg6[%dma_start3A_75, %dma_start3A_77, %dma_start3A_78, %dma_start3A_79] : memref<2x16x50x32xf32, #tpu.memory_space<vmem>> -> memref<1x16x50x32xf32, #tpu.memory_space<vmem>>
    %dma_start3A_81 = tpu.memref_squeeze %dma_start3A_80 : memref<1x16x50x32xf32, #tpu.memory_space<vmem>> -> memref<16x50x32xf32, #tpu.memory_space<vmem>>
    %dma_start3A_82 = arith.constant 0 : i32
    %dma_start3A_83 = arith.constant 0 : i32
    %dma_start3A_84 = tpu.memref_slice %dma_start3A_81[%dma_start3A_76, %dma_start3A_82, %dma_start3A_83] : memref<16x50x32xf32, #tpu.memory_space<vmem>> -> memref<1x50x32xf32, #tpu.memory_space<vmem>>
    %dma_start3A_85 = tpu.memref_squeeze %dma_start3A_84 : memref<1x50x32xf32, #tpu.memory_space<vmem>> -> memref<50x32xf32, #tpu.memory_space<vmem>>
    %dma_start3A_86 = arith.constant 0 : i32
    %dma_start3A_87 = tpu.memref_slice %arg5[%dma_start3A_74, %dma_start3A_86] : memref<512x50xi32, #tpu.memory_space<vmem>> -> memref<1x50xi32, #tpu.memory_space<vmem>>
    %dma_start3A_88 = tpu.memref_squeeze %dma_start3A_87 : memref<1x50xi32, #tpu.memory_space<vmem>> -> memref<50xi32, #tpu.memory_space<vmem>>
    %dma_start3A_89 = arith.constant 0 : i32
    %dma_start3A_90 = arith.constant 0 : i32
    %dma_start3A_91 = tpu.memref_slice %arg3[%dma_start3A_89, %dma_start3A_90] : memref<1000000x32xf32, #tpu.memory_space<hbm>> -> memref<1000000x32xf32, #tpu.memory_space<hbm>>
    tpu.enqueue_indirect_dma source(%dma_start3A_91 : memref<1000000x32xf32, #tpu.memory_space<hbm>>) target(%dma_start3A_85 : memref<50x32xf32, #tpu.memory_space<vmem>>) offsets(%dma_start3A_88 : memref<50xi32, #tpu.memory_space<vmem>>) semaphore(%arg7 : memref<!tpu.dma_semaphore, #tpu.memory_space<semaphore_mem>>)
    %dma_start3A_92 = arith.constant 5 : i32
    %dma_start3A_93 = arith.constant 0 : i32
    %dma_start3A_94 = arith.constant 5 : i32
    %dma_start3A_95 = arith.constant 0 : i32
    %dma_start3A_96 = arith.constant 0 : i32
    %dma_start3A_97 = arith.constant 0 : i32
    %dma_start3A_98 = tpu.memref_slice %arg6[%dma_start3A_93, %dma_start3A_95, %dma_start3A_96, %dma_start3A_97] : memref<2x16x50x32xf32, #tpu.memory_space<vmem>> -> memref<1x16x50x32xf32, #tpu.memory_space<vmem>>
    %dma_start3A_99 = tpu.memref_squeeze %dma_start3A_98 : memref<1x16x50x32xf32, #tpu.memory_space<vmem>> -> memref<16x50x32xf32, #tpu.memory_space<vmem>>
    %dma_start3A_100 = arith.constant 0 : i32
    %dma_start3A_101 = arith.constant 0 : i32
    %dma_start3A_102 = tpu.memref_slice %dma_start3A_99[%dma_start3A_94, %dma_start3A_100, %dma_start3A_101] : memref<16x50x32xf32, #tpu.memory_space<vmem>> -> memref<1x50x32xf32, #tpu.memory_space<vmem>>
    %dma_start3A_103 = tpu.memref_squeeze %dma_start3A_102 : memref<1x50x32xf32, #tpu.memory_space<vmem>> -> memref<50x32xf32, #tpu.memory_space<vmem>>
    %dma_start3A_104 = arith.constant 0 : i32
    %dma_start3A_105 = tpu.memref_slice %arg5[%dma_start3A_92, %dma_start3A_104] : memref<512x50xi32, #tpu.memory_space<vmem>> -> memref<1x50xi32, #tpu.memory_space<vmem>>
    %dma_start3A_106 = tpu.memref_squeeze %dma_start3A_105 : memref<1x50xi32, #tpu.memory_space<vmem>> -> memref<50xi32, #tpu.memory_space<vmem>>
    %dma_start3A_107 = arith.constant 0 : i32
    %dma_start3A_108 = arith.constant 0 : i32
    %dma_start3A_109 = tpu.memref_slice %arg3[%dma_start3A_107, %dma_start3A_108] : memref<1000000x32xf32, #tpu.memory_space<hbm>> -> memref<1000000x32xf32, #tpu.memory_space<hbm>>
    tpu.enqueue_indirect_dma source(%dma_start3A_109 : memref<1000000x32xf32, #tpu.memory_space<hbm>>) target(%dma_start3A_103 : memref<50x32xf32, #tpu.memory_space<vmem>>) offsets(%dma_start3A_106 : memref<50xi32, #tpu.memory_space<vmem>>) semaphore(%arg7 : memref<!tpu.dma_semaphore, #tpu.memory_space<semaphore_mem>>)
    %dma_start3A_110 = arith.constant 6 : i32
    %dma_start3A_111 = arith.constant 0 : i32
    %dma_start3A_112 = arith.constant 6 : i32
    %dma_start3A_113 = arith.constant 0 : i32
    %dma_start3A_114 = arith.constant 0 : i32
    %dma_start3A_115 = arith.constant 0 : i32
    %dma_start3A_116 = tpu.memref_slice %arg6[%dma_start3A_111, %dma_start3A_113, %dma_start3A_114, %dma_start3A_115] : memref<2x16x50x32xf32, #tpu.memory_space<vmem>> -> memref<1x16x50x32xf32, #tpu.memory_space<vmem>>
    %dma_start3A_117 = tpu.memref_squeeze %dma_start3A_116 : memref<1x16x50x32xf32, #tpu.memory_space<vmem>> -> memref<16x50x32xf32, #tpu.memory_space<vmem>>
    %dma_start3A_118 = arith.constant 0 : i32
    %dma_start3A_119 = arith.constant 0 : i32
    %dma_start3A_120 = tpu.memref_slice %dma_start3A_117[%dma_start3A_112, %dma_start3A_118, %dma_start3A_119] : memref<16x50x32xf32, #tpu.memory_space<vmem>> -> memref<1x50x32xf32, #tpu.memory_space<vmem>>
    %dma_start3A_121 = tpu.memref_squeeze %dma_start3A_120 : memref<1x50x32xf32, #tpu.memory_space<vmem>> -> memref<50x32xf32, #tpu.memory_space<vmem>>
    %dma_start3A_122 = arith.constant 0 : i32
    %dma_start3A_123 = tpu.memref_slice %arg5[%dma_start3A_110, %dma_start3A_122] : memref<512x50xi32, #tpu.memory_space<vmem>> -> memref<1x50xi32, #tpu.memory_space<vmem>>
    %dma_start3A_124 = tpu.memref_squeeze %dma_start3A_123 : memref<1x50xi32, #tpu.memory_space<vmem>> -> memref<50xi32, #tpu.memory_space<vmem>>
    %dma_start3A_125 = arith.constant 0 : i32
    %dma_start3A_126 = arith.constant 0 : i32
    %dma_start3A_127 = tpu.memref_slice %arg3[%dma_start3A_125, %dma_start3A_126] : memref<1000000x32xf32, #tpu.memory_space<hbm>> -> memref<1000000x32xf32, #tpu.memory_space<hbm>>
    tpu.enqueue_indirect_dma source(%dma_start3A_127 : memref<1000000x32xf32, #tpu.memory_space<hbm>>) target(%dma_start3A_121 : memref<50x32xf32, #tpu.memory_space<vmem>>) offsets(%dma_start3A_124 : memref<50xi32, #tpu.memory_space<vmem>>) semaphore(%arg7 : memref<!tpu.dma_semaphore, #tpu.memory_space<semaphore_mem>>)
    %dma_start3A_128 = arith.constant 7 : i32
    %dma_start3A_129 = arith.constant 0 : i32
    %dma_start3A_130 = arith.constant 7 : i32
    %dma_start3A_131 = arith.constant 0 : i32
    %dma_start3A_132 = arith.constant 0 : i32
    %dma_start3A_133 = arith.constant 0 : i32
    %dma_start3A_134 = tpu.memref_slice %arg6[%dma_start3A_129, %dma_start3A_131, %dma_start3A_132, %dma_start3A_133] : memref<2x16x50x32xf32, #tpu.memory_space<vmem>> -> memref<1x16x50x32xf32, #tpu.memory_space<vmem>>
    %dma_start3A_135 = tpu.memref_squeeze %dma_start3A_134 : memref<1x16x50x32xf32, #tpu.memory_space<vmem>> -> memref<16x50x32xf32, #tpu.memory_space<vmem>>
    %dma_start3A_136 = arith.constant 0 : i32
    %dma_start3A_137 = arith.constant 0 : i32
    %dma_start3A_138 = tpu.memref_slice %dma_start3A_135[%dma_start3A_130, %dma_start3A_136, %dma_start3A_137] : memref<16x50x32xf32, #tpu.memory_space<vmem>> -> memref<1x50x32xf32, #tpu.memory_space<vmem>>
    %dma_start3A_139 = tpu.memref_squeeze %dma_start3A_138 : memref<1x50x32xf32, #tpu.memory_space<vmem>> -> memref<50x32xf32, #tpu.memory_space<vmem>>
    %dma_start3A_140 = arith.constant 0 : i32
    %dma_start3A_141 = tpu.memref_slice %arg5[%dma_start3A_128, %dma_start3A_140] : memref<512x50xi32, #tpu.memory_space<vmem>> -> memref<1x50xi32, #tpu.memory_space<vmem>>
    %dma_start3A_142 = tpu.memref_squeeze %dma_start3A_141 : memref<1x50xi32, #tpu.memory_space<vmem>> -> memref<50xi32, #tpu.memory_space<vmem>>
    %dma_start3A_143 = arith.constant 0 : i32
    %dma_start3A_144 = arith.constant 0 : i32
    %dma_start3A_145 = tpu.memref_slice %arg3[%dma_start3A_143, %dma_start3A_144] : memref<1000000x32xf32, #tpu.memory_space<hbm>> -> memref<1000000x32xf32, #tpu.memory_space<hbm>>
    tpu.enqueue_indirect_dma source(%dma_start3A_145 : memref<1000000x32xf32, #tpu.memory_space<hbm>>) target(%dma_start3A_139 : memref<50x32xf32, #tpu.memory_space<vmem>>) offsets(%dma_start3A_142 : memref<50xi32, #tpu.memory_space<vmem>>) semaphore(%arg7 : memref<!tpu.dma_semaphore, #tpu.memory_space<semaphore_mem>>)
    %dma_start3A_146 = arith.constant 8 : i32
    %dma_start3A_147 = arith.constant 0 : i32
    %dma_start3A_148 = arith.constant 8 : i32
    %dma_start3A_149 = arith.constant 0 : i32
    %dma_start3A_150 = arith.constant 0 : i32
    %dma_start3A_151 = arith.constant 0 : i32
    %dma_start3A_152 = tpu.memref_slice %arg6[%dma_start3A_147, %dma_start3A_149, %dma_start3A_150, %dma_start3A_151] : memref<2x16x50x32xf32, #tpu.memory_space<vmem>> -> memref<1x16x50x32xf32, #tpu.memory_space<vmem>>
    %dma_start3A_153 = tpu.memref_squeeze %dma_start3A_152 : memref<1x16x50x32xf32, #tpu.memory_space<vmem>> -> memref<16x50x32xf32, #tpu.memory_space<vmem>>
    %dma_start3A_154 = arith.constant 0 : i32
    %dma_start3A_155 = arith.constant 0 : i32
    %dma_start3A_156 = tpu.memref_slice %dma_start3A_153[%dma_start3A_148, %dma_start3A_154, %dma_start3A_155] : memref<16x50x32xf32, #tpu.memory_space<vmem>> -> memref<1x50x32xf32, #tpu.memory_space<vmem>>
    %dma_start3A_157 = tpu.memref_squeeze %dma_start3A_156 : memref<1x50x32xf32, #tpu.memory_space<vmem>> -> memref<50x32xf32, #tpu.memory_space<vmem>>
    %dma_start3A_158 = arith.constant 0 : i32
    %dma_start3A_159 = tpu.memref_slice %arg5[%dma_start3A_146, %dma_start3A_158] : memref<512x50xi32, #tpu.memory_space<vmem>> -> memref<1x50xi32, #tpu.memory_space<vmem>>
    %dma_start3A_160 = tpu.memref_squeeze %dma_start3A_159 : memref<1x50xi32, #tpu.memory_space<vmem>> -> memref<50xi32, #tpu.memory_space<vmem>>
    %dma_start3A_161 = arith.constant 0 : i32
    %dma_start3A_162 = arith.constant 0 : i32
    %dma_start3A_163 = tpu.memref_slice %arg3[%dma_start3A_161, %dma_start3A_162] : memref<1000000x32xf32, #tpu.memory_space<hbm>> -> memref<1000000x32xf32, #tpu.memory_space<hbm>>
    tpu.enqueue_indirect_dma source(%dma_start3A_163 : memref<1000000x32xf32, #tpu.memory_space<hbm>>) target(%dma_start3A_157 : memref<50x32xf32, #tpu.memory_space<vmem>>) offsets(%dma_start3A_160 : memref<50xi32, #tpu.memory_space<vmem>>) semaphore(%arg7 : memref<!tpu.dma_semaphore, #tpu.memory_space<semaphore_mem>>)
    %dma_start3A_164 = arith.constant 9 : i32
    %dma_start3A_165 = arith.constant 0 : i32
    %dma_start3A_166 = arith.constant 9 : i32
    %dma_start3A_167 = arith.constant 0 : i32
    %dma_start3A_168 = arith.constant 0 : i32
    %dma_start3A_169 = arith.constant 0 : i32
    %dma_start3A_170 = tpu.memref_slice %arg6[%dma_start3A_165, %dma_start3A_167, %dma_start3A_168, %dma_start3A_169] : memref<2x16x50x32xf32, #tpu.memory_space<vmem>> -> memref<1x16x50x32xf32, #tpu.memory_space<vmem>>
    %dma_start3A_171 = tpu.memref_squeeze %dma_start3A_170 : memref<1x16x50x32xf32, #tpu.memory_space<vmem>> -> memref<16x50x32xf32, #tpu.memory_space<vmem>>
    %dma_start3A_172 = arith.constant 0 : i32
    %dma_start3A_173 = arith.constant 0 : i32
    %dma_start3A_174 = tpu.memref_slice %dma_start3A_171[%dma_start3A_166, %dma_start3A_172, %dma_start3A_173] : memref<16x50x32xf32, #tpu.memory_space<vmem>> -> memref<1x50x32xf32, #tpu.memory_space<vmem>>
    %dma_start3A_175 = tpu.memref_squeeze %dma_start3A_174 : memref<1x50x32xf32, #tpu.memory_space<vmem>> -> memref<50x32xf32, #tpu.memory_space<vmem>>
    %dma_start3A_176 = arith.constant 0 : i32
    %dma_start3A_177 = tpu.memref_slice %arg5[%dma_start3A_164, %dma_start3A_176] : memref<512x50xi32, #tpu.memory_space<vmem>> -> memref<1x50xi32, #tpu.memory_space<vmem>>
    %dma_start3A_178 = tpu.memref_squeeze %dma_start3A_177 : memref<1x50xi32, #tpu.memory_space<vmem>> -> memref<50xi32, #tpu.memory_space<vmem>>
    %dma_start3A_179 = arith.constant 0 : i32
    %dma_start3A_180 = arith.constant 0 : i32
    %dma_start3A_181 = tpu.memref_slice %arg3[%dma_start3A_179, %dma_start3A_180] : memref<1000000x32xf32, #tpu.memory_space<hbm>> -> memref<1000000x32xf32, #tpu.memory_space<hbm>>
    tpu.enqueue_indirect_dma source(%dma_start3A_181 : memref<1000000x32xf32, #tpu.memory_space<hbm>>) target(%dma_start3A_175 : memref<50x32xf32, #tpu.memory_space<vmem>>) offsets(%dma_start3A_178 : memref<50xi32, #tpu.memory_space<vmem>>) semaphore(%arg7 : memref<!tpu.dma_semaphore, #tpu.memory_space<semaphore_mem>>)
    %dma_start3A_182 = arith.constant 10 : i32
    %dma_start3A_183 = arith.constant 0 : i32
    %dma_start3A_184 = arith.constant 10 : i32
    %dma_start3A_185 = arith.constant 0 : i32
    %dma_start3A_186 = arith.constant 0 : i32
    %dma_start3A_187 = arith.constant 0 : i32
    %dma_start3A_188 = tpu.memref_slice %arg6[%dma_start3A_183, %dma_start3A_185, %dma_start3A_186, %dma_start3A_187] : memref<2x16x50x32xf32, #tpu.memory_space<vmem>> -> memref<1x16x50x32xf32, #tpu.memory_space<vmem>>
    %dma_start3A_189 = tpu.memref_squeeze %dma_start3A_188 : memref<1x16x50x32xf32, #tpu.memory_space<vmem>> -> memref<16x50x32xf32, #tpu.memory_space<vmem>>
    %dma_start3A_190 = arith.constant 0 : i32
    %dma_start3A_191 = arith.constant 0 : i32
    %dma_start3A_192 = tpu.memref_slice %dma_start3A_189[%dma_start3A_184, %dma_start3A_190, %dma_start3A_191] : memref<16x50x32xf32, #tpu.memory_space<vmem>> -> memref<1x50x32xf32, #tpu.memory_space<vmem>>
    %dma_start3A_193 = tpu.memref_squeeze %dma_start3A_192 : memref<1x50x32xf32, #tpu.memory_space<vmem>> -> memref<50x32xf32, #tpu.memory_space<vmem>>
    %dma_start3A_194 = arith.constant 0 : i32
    %dma_start3A_195 = tpu.memref_slice %arg5[%dma_start3A_182, %dma_start3A_194] : memref<512x50xi32, #tpu.memory_space<vmem>> -> memref<1x50xi32, #tpu.memory_space<vmem>>
    %dma_start3A_196 = tpu.memref_squeeze %dma_start3A_195 : memref<1x50xi32, #tpu.memory_space<vmem>> -> memref<50xi32, #tpu.memory_space<vmem>>
    %dma_start3A_197 = arith.constant 0 : i32
    %dma_start3A_198 = arith.constant 0 : i32
    %dma_start3A_199 = tpu.memref_slice %arg3[%dma_start3A_197, %dma_start3A_198] : memref<1000000x32xf32, #tpu.memory_space<hbm>> -> memref<1000000x32xf32, #tpu.memory_space<hbm>>
    tpu.enqueue_indirect_dma source(%dma_start3A_199 : memref<1000000x32xf32, #tpu.memory_space<hbm>>) target(%dma_start3A_193 : memref<50x32xf32, #tpu.memory_space<vmem>>) offsets(%dma_start3A_196 : memref<50xi32, #tpu.memory_space<vmem>>) semaphore(%arg7 : memref<!tpu.dma_semaphore, #tpu.memory_space<semaphore_mem>>)
    %dma_start3A_200 = arith.constant 11 : i32
    %dma_start3A_201 = arith.constant 0 : i32
    %dma_start3A_202 = arith.constant 11 : i32
    %dma_start3A_203 = arith.constant 0 : i32
    %dma_start3A_204 = arith.constant 0 : i32
    %dma_start3A_205 = arith.constant 0 : i32
    %dma_start3A_206 = tpu.memref_slice %arg6[%dma_start3A_201, %dma_start3A_203, %dma_start3A_204, %dma_start3A_205] : memref<2x16x50x32xf32, #tpu.memory_space<vmem>> -> memref<1x16x50x32xf32, #tpu.memory_space<vmem>>
    %dma_start3A_207 = tpu.memref_squeeze %dma_start3A_206 : memref<1x16x50x32xf32, #tpu.memory_space<vmem>> -> memref<16x50x32xf32, #tpu.memory_space<vmem>>
    %dma_start3A_208 = arith.constant 0 : i32
    %dma_start3A_209 = arith.constant 0 : i32
    %dma_start3A_210 = tpu.memref_slice %dma_start3A_207[%dma_start3A_202, %dma_start3A_208, %dma_start3A_209] : memref<16x50x32xf32, #tpu.memory_space<vmem>> -> memref<1x50x32xf32, #tpu.memory_space<vmem>>
    %dma_start3A_211 = tpu.memref_squeeze %dma_start3A_210 : memref<1x50x32xf32, #tpu.memory_space<vmem>> -> memref<50x32xf32, #tpu.memory_space<vmem>>
    %dma_start3A_212 = arith.constant 0 : i32
    %dma_start3A_213 = tpu.memref_slice %arg5[%dma_start3A_200, %dma_start3A_212] : memref<512x50xi32, #tpu.memory_space<vmem>> -> memref<1x50xi32, #tpu.memory_space<vmem>>
    %dma_start3A_214 = tpu.memref_squeeze %dma_start3A_213 : memref<1x50xi32, #tpu.memory_space<vmem>> -> memref<50xi32, #tpu.memory_space<vmem>>
    %dma_start3A_215 = arith.constant 0 : i32
    %dma_start3A_216 = arith.constant 0 : i32
    %dma_start3A_217 = tpu.memref_slice %arg3[%dma_start3A_215, %dma_start3A_216] : memref<1000000x32xf32, #tpu.memory_space<hbm>> -> memref<1000000x32xf32, #tpu.memory_space<hbm>>
    tpu.enqueue_indirect_dma source(%dma_start3A_217 : memref<1000000x32xf32, #tpu.memory_space<hbm>>) target(%dma_start3A_211 : memref<50x32xf32, #tpu.memory_space<vmem>>) offsets(%dma_start3A_214 : memref<50xi32, #tpu.memory_space<vmem>>) semaphore(%arg7 : memref<!tpu.dma_semaphore, #tpu.memory_space<semaphore_mem>>)
    %dma_start3A_218 = arith.constant 12 : i32
    %dma_start3A_219 = arith.constant 0 : i32
    %dma_start3A_220 = arith.constant 12 : i32
    %dma_start3A_221 = arith.constant 0 : i32
    %dma_start3A_222 = arith.constant 0 : i32
    %dma_start3A_223 = arith.constant 0 : i32
    %dma_start3A_224 = tpu.memref_slice %arg6[%dma_start3A_219, %dma_start3A_221, %dma_start3A_222, %dma_start3A_223] : memref<2x16x50x32xf32, #tpu.memory_space<vmem>> -> memref<1x16x50x32xf32, #tpu.memory_space<vmem>>
    %dma_start3A_225 = tpu.memref_squeeze %dma_start3A_224 : memref<1x16x50x32xf32, #tpu.memory_space<vmem>> -> memref<16x50x32xf32, #tpu.memory_space<vmem>>
    %dma_start3A_226 = arith.constant 0 : i32
    %dma_start3A_227 = arith.constant 0 : i32
    %dma_start3A_228 = tpu.memref_slice %dma_start3A_225[%dma_start3A_220, %dma_start3A_226, %dma_start3A_227] : memref<16x50x32xf32, #tpu.memory_space<vmem>> -> memref<1x50x32xf32, #tpu.memory_space<vmem>>
    %dma_start3A_229 = tpu.memref_squeeze %dma_start3A_228 : memref<1x50x32xf32, #tpu.memory_space<vmem>> -> memref<50x32xf32, #tpu.memory_space<vmem>>
    %dma_start3A_230 = arith.constant 0 : i32
    %dma_start3A_231 = tpu.memref_slice %arg5[%dma_start3A_218, %dma_start3A_230] : memref<512x50xi32, #tpu.memory_space<vmem>> -> memref<1x50xi32, #tpu.memory_space<vmem>>
    %dma_start3A_232 = tpu.memref_squeeze %dma_start3A_231 : memref<1x50xi32, #tpu.memory_space<vmem>> -> memref<50xi32, #tpu.memory_space<vmem>>
    %dma_start3A_233 = arith.constant 0 : i32
    %dma_start3A_234 = arith.constant 0 : i32
    %dma_start3A_235 = tpu.memref_slice %arg3[%dma_start3A_233, %dma_start3A_234] : memref<1000000x32xf32, #tpu.memory_space<hbm>> -> memref<1000000x32xf32, #tpu.memory_space<hbm>>
    tpu.enqueue_indirect_dma source(%dma_start3A_235 : memref<1000000x32xf32, #tpu.memory_space<hbm>>) target(%dma_start3A_229 : memref<50x32xf32, #tpu.memory_space<vmem>>) offsets(%dma_start3A_232 : memref<50xi32, #tpu.memory_space<vmem>>) semaphore(%arg7 : memref<!tpu.dma_semaphore, #tpu.memory_space<semaphore_mem>>)
    %dma_start3A_236 = arith.constant 13 : i32
    %dma_start3A_237 = arith.constant 0 : i32
    %dma_start3A_238 = arith.constant 13 : i32
    %dma_start3A_239 = arith.constant 0 : i32
    %dma_start3A_240 = arith.constant 0 : i32
    %dma_start3A_241 = arith.constant 0 : i32
    %dma_start3A_242 = tpu.memref_slice %arg6[%dma_start3A_237, %dma_start3A_239, %dma_start3A_240, %dma_start3A_241] : memref<2x16x50x32xf32, #tpu.memory_space<vmem>> -> memref<1x16x50x32xf32, #tpu.memory_space<vmem>>
    %dma_start3A_243 = tpu.memref_squeeze %dma_start3A_242 : memref<1x16x50x32xf32, #tpu.memory_space<vmem>> -> memref<16x50x32xf32, #tpu.memory_space<vmem>>
    %dma_start3A_244 = arith.constant 0 : i32
    %dma_start3A_245 = arith.constant 0 : i32
    %dma_start3A_246 = tpu.memref_slice %dma_start3A_243[%dma_start3A_238, %dma_start3A_244, %dma_start3A_245] : memref<16x50x32xf32, #tpu.memory_space<vmem>> -> memref<1x50x32xf32, #tpu.memory_space<vmem>>
    %dma_start3A_247 = tpu.memref_squeeze %dma_start3A_246 : memref<1x50x32xf32, #tpu.memory_space<vmem>> -> memref<50x32xf32, #tpu.memory_space<vmem>>
    %dma_start3A_248 = arith.constant 0 : i32
    %dma_start3A_249 = tpu.memref_slice %arg5[%dma_start3A_236, %dma_start3A_248] : memref<512x50xi32, #tpu.memory_space<vmem>> -> memref<1x50xi32, #tpu.memory_space<vmem>>
    %dma_start3A_250 = tpu.memref_squeeze %dma_start3A_249 : memref<1x50xi32, #tpu.memory_space<vmem>> -> memref<50xi32, #tpu.memory_space<vmem>>
    %dma_start3A_251 = arith.constant 0 : i32
    %dma_start3A_252 = arith.constant 0 : i32
    %dma_start3A_253 = tpu.memref_slice %arg3[%dma_start3A_251, %dma_start3A_252] : memref<1000000x32xf32, #tpu.memory_space<hbm>> -> memref<1000000x32xf32, #tpu.memory_space<hbm>>
    tpu.enqueue_indirect_dma source(%dma_start3A_253 : memref<1000000x32xf32, #tpu.memory_space<hbm>>) target(%dma_start3A_247 : memref<50x32xf32, #tpu.memory_space<vmem>>) offsets(%dma_start3A_250 : memref<50xi32, #tpu.memory_space<vmem>>) semaphore(%arg7 : memref<!tpu.dma_semaphore, #tpu.memory_space<semaphore_mem>>)
    %dma_start3A_254 = arith.constant 14 : i32
    %dma_start3A_255 = arith.constant 0 : i32
    %dma_start3A_256 = arith.constant 14 : i32
    %dma_start3A_257 = arith.constant 0 : i32
    %dma_start3A_258 = arith.constant 0 : i32
    %dma_start3A_259 = arith.constant 0 : i32
    %dma_start3A_260 = tpu.memref_slice %arg6[%dma_start3A_255, %dma_start3A_257, %dma_start3A_258, %dma_start3A_259] : memref<2x16x50x32xf32, #tpu.memory_space<vmem>> -> memref<1x16x50x32xf32, #tpu.memory_space<vmem>>
    %dma_start3A_261 = tpu.memref_squeeze %dma_start3A_260 : memref<1x16x50x32xf32, #tpu.memory_space<vmem>> -> memref<16x50x32xf32, #tpu.memory_space<vmem>>
    %dma_start3A_262 = arith.constant 0 : i32
    %dma_start3A_263 = arith.constant 0 : i32
    %dma_start3A_264 = tpu.memref_slice %dma_start3A_261[%dma_start3A_256, %dma_start3A_262, %dma_start3A_263] : memref<16x50x32xf32, #tpu.memory_space<vmem>> -> memref<1x50x32xf32, #tpu.memory_space<vmem>>
    %dma_start3A_265 = tpu.memref_squeeze %dma_start3A_264 : memref<1x50x32xf32, #tpu.memory_space<vmem>> -> memref<50x32xf32, #tpu.memory_space<vmem>>
    %dma_start3A_266 = arith.constant 0 : i32
    %dma_start3A_267 = tpu.memref_slice %arg5[%dma_start3A_254, %dma_start3A_266] : memref<512x50xi32, #tpu.memory_space<vmem>> -> memref<1x50xi32, #tpu.memory_space<vmem>>
    %dma_start3A_268 = tpu.memref_squeeze %dma_start3A_267 : memref<1x50xi32, #tpu.memory_space<vmem>> -> memref<50xi32, #tpu.memory_space<vmem>>
    %dma_start3A_269 = arith.constant 0 : i32
    %dma_start3A_270 = arith.constant 0 : i32
    %dma_start3A_271 = tpu.memref_slice %arg3[%dma_start3A_269, %dma_start3A_270] : memref<1000000x32xf32, #tpu.memory_space<hbm>> -> memref<1000000x32xf32, #tpu.memory_space<hbm>>
    tpu.enqueue_indirect_dma source(%dma_start3A_271 : memref<1000000x32xf32, #tpu.memory_space<hbm>>) target(%dma_start3A_265 : memref<50x32xf32, #tpu.memory_space<vmem>>) offsets(%dma_start3A_268 : memref<50xi32, #tpu.memory_space<vmem>>) semaphore(%arg7 : memref<!tpu.dma_semaphore, #tpu.memory_space<semaphore_mem>>)
    %dma_start3A_272 = arith.constant 15 : i32
    %dma_start3A_273 = arith.constant 0 : i32
    %dma_start3A_274 = arith.constant 15 : i32
    %dma_start3A_275 = arith.constant 0 : i32
    %dma_start3A_276 = arith.constant 0 : i32
    %dma_start3A_277 = arith.constant 0 : i32
    %dma_start3A_278 = tpu.memref_slice %arg6[%dma_start3A_273, %dma_start3A_275, %dma_start3A_276, %dma_start3A_277] : memref<2x16x50x32xf32, #tpu.memory_space<vmem>> -> memref<1x16x50x32xf32, #tpu.memory_space<vmem>>
    %dma_start3A_279 = tpu.memref_squeeze %dma_start3A_278 : memref<1x16x50x32xf32, #tpu.memory_space<vmem>> -> memref<16x50x32xf32, #tpu.memory_space<vmem>>
    %dma_start3A_280 = arith.constant 0 : i32
    %dma_start3A_281 = arith.constant 0 : i32
    %dma_start3A_282 = tpu.memref_slice %dma_start3A_279[%dma_start3A_274, %dma_start3A_280, %dma_start3A_281] : memref<16x50x32xf32, #tpu.memory_space<vmem>> -> memref<1x50x32xf32, #tpu.memory_space<vmem>>
    %dma_start3A_283 = tpu.memref_squeeze %dma_start3A_282 : memref<1x50x32xf32, #tpu.memory_space<vmem>> -> memref<50x32xf32, #tpu.memory_space<vmem>>
    %dma_start3A_284 = arith.constant 0 : i32
    %dma_start3A_285 = tpu.memref_slice %arg5[%dma_start3A_272, %dma_start3A_284] : memref<512x50xi32, #tpu.memory_space<vmem>> -> memref<1x50xi32, #tpu.memory_space<vmem>>
    %dma_start3A_286 = tpu.memref_squeeze %dma_start3A_285 : memref<1x50xi32, #tpu.memory_space<vmem>> -> memref<50xi32, #tpu.memory_space<vmem>>
    %dma_start3A_287 = arith.constant 0 : i32
    %dma_start3A_288 = arith.constant 0 : i32
    %dma_start3A_289 = tpu.memref_slice %arg3[%dma_start3A_287, %dma_start3A_288] : memref<1000000x32xf32, #tpu.memory_space<hbm>> -> memref<1000000x32xf32, #tpu.memory_space<hbm>>
    tpu.enqueue_indirect_dma source(%dma_start3A_289 : memref<1000000x32xf32, #tpu.memory_space<hbm>>) target(%dma_start3A_283 : memref<50x32xf32, #tpu.memory_space<vmem>>) offsets(%dma_start3A_286 : memref<50xi32, #tpu.memory_space<vmem>>) semaphore(%arg7 : memref<!tpu.dma_semaphore, #tpu.memory_space<semaphore_mem>>)
    %scan3A = arith.constant 0 : i32
    %scan3A_290 = arith.constant 0 : i32
    %scan3A_291 = arith.constant 31 : i32
    %scan3A_292 = arith.addi %scan3A_290, %scan3A_291 : i32
    %scan3A_293 = arith.constant 1 : i32
    scf.for %scan3A_370 = %scan3A_290 to %scan3A_292 step %scan3A_293  : i32 {
      %rem3A = arith.constant 2 : i32
      %rem3A_371 = arith.remsi %scan3A_370, %rem3A : i32
      %eq3A = arith.constant 0 : i32
      %eq3A_372 = arith.cmpi eq, %rem3A_371, %eq3A : i32
      %convert_element_type3A = arith.extui %eq3A_372 : i1 to i32
      %cond3A = arith.constant 0 : i32
      %cond3A_373 = arith.cmpi ne, %convert_element_type3A, %cond3A : i32
      scf.if %cond3A_373 {
        %ge3A = arith.constant 1 : i32
        %ge3A_379 = arith.cmpi sge, %scan3A_370, %ge3A : i32
        %convert_element_type3A_380 = arith.extui %ge3A_379 : i1 to i32
        %cond3A_381 = arith.constant 0 : i32
        %cond3A_382 = arith.cmpi ne, %convert_element_type3A_380, %cond3A_381 : i32
        scf.if %cond3A_382 {
          %dma_wait3A_760 = arith.constant 1 : i32
          %dma_wait3A_761 = arith.constant 0 : i32
          %dma_wait3A_762 = arith.constant 0 : i32
          %dma_wait3A_763 = arith.constant 0 : i32
          %dma_wait3A_764 = tpu.memref_slice %arg6[%dma_wait3A_760, %dma_wait3A_761, %dma_wait3A_762, %dma_wait3A_763] : memref<2x16x50x32xf32, #tpu.memory_space<vmem>> -> memref<1x16x50x32xf32, #tpu.memory_space<vmem>>
          %dma_wait3A_765 = tpu.memref_squeeze %dma_wait3A_764 : memref<1x16x50x32xf32, #tpu.memory_space<vmem>> -> memref<16x50x32xf32, #tpu.memory_space<vmem>>
          %dma_wait3A_766 = arith.constant 0 : i32
          %dma_wait3A_767 = arith.constant 0 : i32
          %dma_wait3A_768 = arith.constant 0 : i32
          %dma_wait3A_769 = tpu.memref_slice %arg4[%dma_wait3A_766, %dma_wait3A_767, %dma_wait3A_768] : memref<16384x50x32xf32, #tpu.memory_space<hbm>> -> memref<16x50x32xf32, #tpu.memory_space<hbm>>
          %dma_wait3A_770 = arith.constant 0 : i32
          %dma_wait3A_771 = arith.constant 0 : i32
          %dma_wait3A_772 = arith.constant 0 : i32
          %dma_wait3A_773 = tpu.memref_slice %arg6[%dma_wait3A_760, %dma_wait3A_770, %dma_wait3A_771, %dma_wait3A_772] : memref<2x16x50x32xf32, #tpu.memory_space<vmem>> -> memref<1x16x50x32xf32, #tpu.memory_space<vmem>>
          %dma_wait3A_774 = tpu.memref_squeeze %dma_wait3A_773 : memref<1x16x50x32xf32, #tpu.memory_space<vmem>> -> memref<16x50x32xf32, #tpu.memory_space<vmem>>
          %dma_wait3A_775 = arith.constant 0 : i32
          %dma_wait3A_776 = arith.constant 0 : i32
          %dma_wait3A_777 = arith.constant 0 : i32
          %dma_wait3A_778 = tpu.memref_slice %arg4[%dma_wait3A_775, %dma_wait3A_776, %dma_wait3A_777] : memref<16384x50x32xf32, #tpu.memory_space<hbm>> -> memref<16x50x32xf32, #tpu.memory_space<hbm>>
          tpu.wait_dma2 semaphore(%arg10 : memref<!tpu.dma_semaphore, #tpu.memory_space<semaphore_mem>>) src(%dma_wait3A_778 : memref<16x50x32xf32, #tpu.memory_space<hbm>>) dst(%dma_wait3A_774 : memref<16x50x32xf32, #tpu.memory_space<vmem>>)
        } else {
        }
        %add3A_383 = arith.constant 1 : i32
        %add3A_384 = arith.addi %scan3A_370, %add3A_383 : i32
        %mul3A_385 = arith.constant 16 : i32
        %mul3A_386 = arith.muli %add3A_384, %mul3A_385 : i32
        %add3A_387 = arith.constant 0 : i32
        %add3A_388 = arith.addi %mul3A_386, %add3A_387 : i32
        %dma_start3A_389 = arith.constant 1 : i32
        %dma_start3A_390 = arith.constant 0 : i32
        %dma_start3A_391 = arith.constant 0 : i32
        %dma_start3A_392 = arith.constant 0 : i32
        %dma_start3A_393 = arith.constant 0 : i32
        %dma_start3A_394 = tpu.memref_slice %arg6[%dma_start3A_389, %dma_start3A_391, %dma_start3A_392, %dma_start3A_393] : memref<2x16x50x32xf32, #tpu.memory_space<vmem>> -> memref<1x16x50x32xf32, #tpu.memory_space<vmem>>
        %dma_start3A_395 = tpu.memref_squeeze %dma_start3A_394 : memref<1x16x50x32xf32, #tpu.memory_space<vmem>> -> memref<16x50x32xf32, #tpu.memory_space<vmem>>
        %dma_start3A_396 = arith.constant 0 : i32
        %dma_start3A_397 = arith.constant 0 : i32
        %dma_start3A_398 = tpu.memref_slice %dma_start3A_395[%dma_start3A_390, %dma_start3A_396, %dma_start3A_397] : memref<16x50x32xf32, #tpu.memory_space<vmem>> -> memref<1x50x32xf32, #tpu.memory_space<vmem>>
        %dma_start3A_399 = tpu.memref_squeeze %dma_start3A_398 : memref<1x50x32xf32, #tpu.memory_space<vmem>> -> memref<50x32xf32, #tpu.memory_space<vmem>>
        %dma_start3A_400 = arith.constant 0 : i32
        %dma_start3A_401 = tpu.memref_slice %arg5[%add3A_388, %dma_start3A_400] : memref<512x50xi32, #tpu.memory_space<vmem>> -> memref<1x50xi32, #tpu.memory_space<vmem>>
        %dma_start3A_402 = tpu.memref_squeeze %dma_start3A_401 : memref<1x50xi32, #tpu.memory_space<vmem>> -> memref<50xi32, #tpu.memory_space<vmem>>
        %dma_start3A_403 = arith.constant 0 : i32
        %dma_start3A_404 = arith.constant 0 : i32
        %dma_start3A_405 = tpu.memref_slice %arg3[%dma_start3A_403, %dma_start3A_404] : memref<1000000x32xf32, #tpu.memory_space<hbm>> -> memref<1000000x32xf32, #tpu.memory_space<hbm>>
        tpu.enqueue_indirect_dma source(%dma_start3A_405 : memref<1000000x32xf32, #tpu.memory_space<hbm>>) target(%dma_start3A_399 : memref<50x32xf32, #tpu.memory_space<vmem>>) offsets(%dma_start3A_402 : memref<50xi32, #tpu.memory_space<vmem>>) semaphore(%arg8 : memref<!tpu.dma_semaphore, #tpu.memory_space<semaphore_mem>>)
        %mul3A_406 = arith.constant 16 : i32
        %mul3A_407 = arith.muli %add3A_384, %mul3A_406 : i32
        %add3A_408 = arith.constant 1 : i32
        %add3A_409 = arith.addi %mul3A_407, %add3A_408 : i32
        %dma_start3A_410 = arith.constant 1 : i32
        %dma_start3A_411 = arith.constant 1 : i32
        %dma_start3A_412 = arith.constant 0 : i32
        %dma_start3A_413 = arith.constant 0 : i32
        %dma_start3A_414 = arith.constant 0 : i32
        %dma_start3A_415 = tpu.memref_slice %arg6[%dma_start3A_410, %dma_start3A_412, %dma_start3A_413, %dma_start3A_414] : memref<2x16x50x32xf32, #tpu.memory_space<vmem>> -> memref<1x16x50x32xf32, #tpu.memory_space<vmem>>
        %dma_start3A_416 = tpu.memref_squeeze %dma_start3A_415 : memref<1x16x50x32xf32, #tpu.memory_space<vmem>> -> memref<16x50x32xf32, #tpu.memory_space<vmem>>
        %dma_start3A_417 = arith.constant 0 : i32
        %dma_start3A_418 = arith.constant 0 : i32
        %dma_start3A_419 = tpu.memref_slice %dma_start3A_416[%dma_start3A_411, %dma_start3A_417, %dma_start3A_418] : memref<16x50x32xf32, #tpu.memory_space<vmem>> -> memref<1x50x32xf32, #tpu.memory_space<vmem>>
        %dma_start3A_420 = tpu.memref_squeeze %dma_start3A_419 : memref<1x50x32xf32, #tpu.memory_space<vmem>> -> memref<50x32xf32, #tpu.memory_space<vmem>>
        %dma_start3A_421 = arith.constant 0 : i32
        %dma_start3A_422 = tpu.memref_slice %arg5[%add3A_409, %dma_start3A_421] : memref<512x50xi32, #tpu.memory_space<vmem>> -> memref<1x50xi32, #tpu.memory_space<vmem>>
        %dma_start3A_423 = tpu.memref_squeeze %dma_start3A_422 : memref<1x50xi32, #tpu.memory_space<vmem>> -> memref<50xi32, #tpu.memory_space<vmem>>
        %dma_start3A_424 = arith.constant 0 : i32
        %dma_start3A_425 = arith.constant 0 : i32
        %dma_start3A_426 = tpu.memref_slice %arg3[%dma_start3A_424, %dma_start3A_425] : memref<1000000x32xf32, #tpu.memory_space<hbm>> -> memref<1000000x32xf32, #tpu.memory_space<hbm>>
        tpu.enqueue_indirect_dma source(%dma_start3A_426 : memref<1000000x32xf32, #tpu.memory_space<hbm>>) target(%dma_start3A_420 : memref<50x32xf32, #tpu.memory_space<vmem>>) offsets(%dma_start3A_423 : memref<50xi32, #tpu.memory_space<vmem>>) semaphore(%arg8 : memref<!tpu.dma_semaphore, #tpu.memory_space<semaphore_mem>>)
        %mul3A_427 = arith.constant 16 : i32
        %mul3A_428 = arith.muli %add3A_384, %mul3A_427 : i32
        %add3A_429 = arith.constant 2 : i32
        %add3A_430 = arith.addi %mul3A_428, %add3A_429 : i32
        %dma_start3A_431 = arith.constant 1 : i32
        %dma_start3A_432 = arith.constant 2 : i32
        %dma_start3A_433 = arith.constant 0 : i32
        %dma_start3A_434 = arith.constant 0 : i32
        %dma_start3A_435 = arith.constant 0 : i32
        %dma_start3A_436 = tpu.memref_slice %arg6[%dma_start3A_431, %dma_start3A_433, %dma_start3A_434, %dma_start3A_435] : memref<2x16x50x32xf32, #tpu.memory_space<vmem>> -> memref<1x16x50x32xf32, #tpu.memory_space<vmem>>
        %dma_start3A_437 = tpu.memref_squeeze %dma_start3A_436 : memref<1x16x50x32xf32, #tpu.memory_space<vmem>> -> memref<16x50x32xf32, #tpu.memory_space<vmem>>
        %dma_start3A_438 = arith.constant 0 : i32
        %dma_start3A_439 = arith.constant 0 : i32
        %dma_start3A_440 = tpu.memref_slice %dma_start3A_437[%dma_start3A_432, %dma_start3A_438, %dma_start3A_439] : memref<16x50x32xf32, #tpu.memory_space<vmem>> -> memref<1x50x32xf32, #tpu.memory_space<vmem>>
        %dma_start3A_441 = tpu.memref_squeeze %dma_start3A_440 : memref<1x50x32xf32, #tpu.memory_space<vmem>> -> memref<50x32xf32, #tpu.memory_space<vmem>>
        %dma_start3A_442 = arith.constant 0 : i32
        %dma_start3A_443 = tpu.memref_slice %arg5[%add3A_430, %dma_start3A_442] : memref<512x50xi32, #tpu.memory_space<vmem>> -> memref<1x50xi32, #tpu.memory_space<vmem>>
        %dma_start3A_444 = tpu.memref_squeeze %dma_start3A_443 : memref<1x50xi32, #tpu.memory_space<vmem>> -> memref<50xi32, #tpu.memory_space<vmem>>
        %dma_start3A_445 = arith.constant 0 : i32
        %dma_start3A_446 = arith.constant 0 : i32
        %dma_start3A_447 = tpu.memref_slice %arg3[%dma_start3A_445, %dma_start3A_446] : memref<1000000x32xf32, #tpu.memory_space<hbm>> -> memref<1000000x32xf32, #tpu.memory_space<hbm>>
        tpu.enqueue_indirect_dma source(%dma_start3A_447 : memref<1000000x32xf32, #tpu.memory_space<hbm>>) target(%dma_start3A_441 : memref<50x32xf32, #tpu.memory_space<vmem>>) offsets(%dma_start3A_444 : memref<50xi32, #tpu.memory_space<vmem>>) semaphore(%arg8 : memref<!tpu.dma_semaphore, #tpu.memory_space<semaphore_mem>>)
        %mul3A_448 = arith.constant 16 : i32
        %mul3A_449 = arith.muli %add3A_384, %mul3A_448 : i32
        %add3A_450 = arith.constant 3 : i32
        %add3A_451 = arith.addi %mul3A_449, %add3A_450 : i32
        %dma_start3A_452 = arith.constant 1 : i32
        %dma_start3A_453 = arith.constant 3 : i32
        %dma_start3A_454 = arith.constant 0 : i32
        %dma_start3A_455 = arith.constant 0 : i32
        %dma_start3A_456 = arith.constant 0 : i32
        %dma_start3A_457 = tpu.memref_slice %arg6[%dma_start3A_452, %dma_start3A_454, %dma_start3A_455, %dma_start3A_456] : memref<2x16x50x32xf32, #tpu.memory_space<vmem>> -> memref<1x16x50x32xf32, #tpu.memory_space<vmem>>
        %dma_start3A_458 = tpu.memref_squeeze %dma_start3A_457 : memref<1x16x50x32xf32, #tpu.memory_space<vmem>> -> memref<16x50x32xf32, #tpu.memory_space<vmem>>
        %dma_start3A_459 = arith.constant 0 : i32
        %dma_start3A_460 = arith.constant 0 : i32
        %dma_start3A_461 = tpu.memref_slice %dma_start3A_458[%dma_start3A_453, %dma_start3A_459, %dma_start3A_460] : memref<16x50x32xf32, #tpu.memory_space<vmem>> -> memref<1x50x32xf32, #tpu.memory_space<vmem>>
        %dma_start3A_462 = tpu.memref_squeeze %dma_start3A_461 : memref<1x50x32xf32, #tpu.memory_space<vmem>> -> memref<50x32xf32, #tpu.memory_space<vmem>>
        %dma_start3A_463 = arith.constant 0 : i32
        %dma_start3A_464 = tpu.memref_slice %arg5[%add3A_451, %dma_start3A_463] : memref<512x50xi32, #tpu.memory_space<vmem>> -> memref<1x50xi32, #tpu.memory_space<vmem>>
        %dma_start3A_465 = tpu.memref_squeeze %dma_start3A_464 : memref<1x50xi32, #tpu.memory_space<vmem>> -> memref<50xi32, #tpu.memory_space<vmem>>
        %dma_start3A_466 = arith.constant 0 : i32
        %dma_start3A_467 = arith.constant 0 : i32
        %dma_start3A_468 = tpu.memref_slice %arg3[%dma_start3A_466, %dma_start3A_467] : memref<1000000x32xf32, #tpu.memory_space<hbm>> -> memref<1000000x32xf32, #tpu.memory_space<hbm>>
        tpu.enqueue_indirect_dma source(%dma_start3A_468 : memref<1000000x32xf32, #tpu.memory_space<hbm>>) target(%dma_start3A_462 : memref<50x32xf32, #tpu.memory_space<vmem>>) offsets(%dma_start3A_465 : memref<50xi32, #tpu.memory_space<vmem>>) semaphore(%arg8 : memref<!tpu.dma_semaphore, #tpu.memory_space<semaphore_mem>>)
        %mul3A_469 = arith.constant 16 : i32
        %mul3A_470 = arith.muli %add3A_384, %mul3A_469 : i32
        %add3A_471 = arith.constant 4 : i32
        %add3A_472 = arith.addi %mul3A_470, %add3A_471 : i32
        %dma_start3A_473 = arith.constant 1 : i32
        %dma_start3A_474 = arith.constant 4 : i32
        %dma_start3A_475 = arith.constant 0 : i32
        %dma_start3A_476 = arith.constant 0 : i32
        %dma_start3A_477 = arith.constant 0 : i32
        %dma_start3A_478 = tpu.memref_slice %arg6[%dma_start3A_473, %dma_start3A_475, %dma_start3A_476, %dma_start3A_477] : memref<2x16x50x32xf32, #tpu.memory_space<vmem>> -> memref<1x16x50x32xf32, #tpu.memory_space<vmem>>
        %dma_start3A_479 = tpu.memref_squeeze %dma_start3A_478 : memref<1x16x50x32xf32, #tpu.memory_space<vmem>> -> memref<16x50x32xf32, #tpu.memory_space<vmem>>
        %dma_start3A_480 = arith.constant 0 : i32
        %dma_start3A_481 = arith.constant 0 : i32
        %dma_start3A_482 = tpu.memref_slice %dma_start3A_479[%dma_start3A_474, %dma_start3A_480, %dma_start3A_481] : memref<16x50x32xf32, #tpu.memory_space<vmem>> -> memref<1x50x32xf32, #tpu.memory_space<vmem>>
        %dma_start3A_483 = tpu.memref_squeeze %dma_start3A_482 : memref<1x50x32xf32, #tpu.memory_space<vmem>> -> memref<50x32xf32, #tpu.memory_space<vmem>>
        %dma_start3A_484 = arith.constant 0 : i32
        %dma_start3A_485 = tpu.memref_slice %arg5[%add3A_472, %dma_start3A_484] : memref<512x50xi32, #tpu.memory_space<vmem>> -> memref<1x50xi32, #tpu.memory_space<vmem>>
        %dma_start3A_486 = tpu.memref_squeeze %dma_start3A_485 : memref<1x50xi32, #tpu.memory_space<vmem>> -> memref<50xi32, #tpu.memory_space<vmem>>
        %dma_start3A_487 = arith.constant 0 : i32
        %dma_start3A_488 = arith.constant 0 : i32
        %dma_start3A_489 = tpu.memref_slice %arg3[%dma_start3A_487, %dma_start3A_488] : memref<1000000x32xf32, #tpu.memory_space<hbm>> -> memref<1000000x32xf32, #tpu.memory_space<hbm>>
        tpu.enqueue_indirect_dma source(%dma_start3A_489 : memref<1000000x32xf32, #tpu.memory_space<hbm>>) target(%dma_start3A_483 : memref<50x32xf32, #tpu.memory_space<vmem>>) offsets(%dma_start3A_486 : memref<50xi32, #tpu.memory_space<vmem>>) semaphore(%arg8 : memref<!tpu.dma_semaphore, #tpu.memory_space<semaphore_mem>>)
        %mul3A_490 = arith.constant 16 : i32
        %mul3A_491 = arith.muli %add3A_384, %mul3A_490 : i32
        %add3A_492 = arith.constant 5 : i32
        %add3A_493 = arith.addi %mul3A_491, %add3A_492 : i32
        %dma_start3A_494 = arith.constant 1 : i32
        %dma_start3A_495 = arith.constant 5 : i32
        %dma_start3A_496 = arith.constant 0 : i32
        %dma_start3A_497 = arith.constant 0 : i32
        %dma_start3A_498 = arith.constant 0 : i32
        %dma_start3A_499 = tpu.memref_slice %arg6[%dma_start3A_494, %dma_start3A_496, %dma_start3A_497, %dma_start3A_498] : memref<2x16x50x32xf32, #tpu.memory_space<vmem>> -> memref<1x16x50x32xf32, #tpu.memory_space<vmem>>
        %dma_start3A_500 = tpu.memref_squeeze %dma_start3A_499 : memref<1x16x50x32xf32, #tpu.memory_space<vmem>> -> memref<16x50x32xf32, #tpu.memory_space<vmem>>
        %dma_start3A_501 = arith.constant 0 : i32
        %dma_start3A_502 = arith.constant 0 : i32
        %dma_start3A_503 = tpu.memref_slice %dma_start3A_500[%dma_start3A_495, %dma_start3A_501, %dma_start3A_502] : memref<16x50x32xf32, #tpu.memory_space<vmem>> -> memref<1x50x32xf32, #tpu.memory_space<vmem>>
        %dma_start3A_504 = tpu.memref_squeeze %dma_start3A_503 : memref<1x50x32xf32, #tpu.memory_space<vmem>> -> memref<50x32xf32, #tpu.memory_space<vmem>>
        %dma_start3A_505 = arith.constant 0 : i32
        %dma_start3A_506 = tpu.memref_slice %arg5[%add3A_493, %dma_start3A_505] : memref<512x50xi32, #tpu.memory_space<vmem>> -> memref<1x50xi32, #tpu.memory_space<vmem>>
        %dma_start3A_507 = tpu.memref_squeeze %dma_start3A_506 : memref<1x50xi32, #tpu.memory_space<vmem>> -> memref<50xi32, #tpu.memory_space<vmem>>
        %dma_start3A_508 = arith.constant 0 : i32
        %dma_start3A_509 = arith.constant 0 : i32
        %dma_start3A_510 = tpu.memref_slice %arg3[%dma_start3A_508, %dma_start3A_509] : memref<1000000x32xf32, #tpu.memory_space<hbm>> -> memref<1000000x32xf32, #tpu.memory_space<hbm>>
        tpu.enqueue_indirect_dma source(%dma_start3A_510 : memref<1000000x32xf32, #tpu.memory_space<hbm>>) target(%dma_start3A_504 : memref<50x32xf32, #tpu.memory_space<vmem>>) offsets(%dma_start3A_507 : memref<50xi32, #tpu.memory_space<vmem>>) semaphore(%arg8 : memref<!tpu.dma_semaphore, #tpu.memory_space<semaphore_mem>>)
        %mul3A_511 = arith.constant 16 : i32
        %mul3A_512 = arith.muli %add3A_384, %mul3A_511 : i32
        %add3A_513 = arith.constant 6 : i32
        %add3A_514 = arith.addi %mul3A_512, %add3A_513 : i32
        %dma_start3A_515 = arith.constant 1 : i32
        %dma_start3A_516 = arith.constant 6 : i32
        %dma_start3A_517 = arith.constant 0 : i32
        %dma_start3A_518 = arith.constant 0 : i32
        %dma_start3A_519 = arith.constant 0 : i32
        %dma_start3A_520 = tpu.memref_slice %arg6[%dma_start3A_515, %dma_start3A_517, %dma_start3A_518, %dma_start3A_519] : memref<2x16x50x32xf32, #tpu.memory_space<vmem>> -> memref<1x16x50x32xf32, #tpu.memory_space<vmem>>
        %dma_start3A_521 = tpu.memref_squeeze %dma_start3A_520 : memref<1x16x50x32xf32, #tpu.memory_space<vmem>> -> memref<16x50x32xf32, #tpu.memory_space<vmem>>
        %dma_start3A_522 = arith.constant 0 : i32
        %dma_start3A_523 = arith.constant 0 : i32
        %dma_start3A_524 = tpu.memref_slice %dma_start3A_521[%dma_start3A_516, %dma_start3A_522, %dma_start3A_523] : memref<16x50x32xf32, #tpu.memory_space<vmem>> -> memref<1x50x32xf32, #tpu.memory_space<vmem>>
        %dma_start3A_525 = tpu.memref_squeeze %dma_start3A_524 : memref<1x50x32xf32, #tpu.memory_space<vmem>> -> memref<50x32xf32, #tpu.memory_space<vmem>>
        %dma_start3A_526 = arith.constant 0 : i32
        %dma_start3A_527 = tpu.memref_slice %arg5[%add3A_514, %dma_start3A_526] : memref<512x50xi32, #tpu.memory_space<vmem>> -> memref<1x50xi32, #tpu.memory_space<vmem>>
        %dma_start3A_528 = tpu.memref_squeeze %dma_start3A_527 : memref<1x50xi32, #tpu.memory_space<vmem>> -> memref<50xi32, #tpu.memory_space<vmem>>
        %dma_start3A_529 = arith.constant 0 : i32
        %dma_start3A_530 = arith.constant 0 : i32
        %dma_start3A_531 = tpu.memref_slice %arg3[%dma_start3A_529, %dma_start3A_530] : memref<1000000x32xf32, #tpu.memory_space<hbm>> -> memref<1000000x32xf32, #tpu.memory_space<hbm>>
        tpu.enqueue_indirect_dma source(%dma_start3A_531 : memref<1000000x32xf32, #tpu.memory_space<hbm>>) target(%dma_start3A_525 : memref<50x32xf32, #tpu.memory_space<vmem>>) offsets(%dma_start3A_528 : memref<50xi32, #tpu.memory_space<vmem>>) semaphore(%arg8 : memref<!tpu.dma_semaphore, #tpu.memory_space<semaphore_mem>>)
        %mul3A_532 = arith.constant 16 : i32
        %mul3A_533 = arith.muli %add3A_384, %mul3A_532 : i32
        %add3A_534 = arith.constant 7 : i32
        %add3A_535 = arith.addi %mul3A_533, %add3A_534 : i32
        %dma_start3A_536 = arith.constant 1 : i32
        %dma_start3A_537 = arith.constant 7 : i32
        %dma_start3A_538 = arith.constant 0 : i32
        %dma_start3A_539 = arith.constant 0 : i32
        %dma_start3A_540 = arith.constant 0 : i32
        %dma_start3A_541 = tpu.memref_slice %arg6[%dma_start3A_536, %dma_start3A_538, %dma_start3A_539, %dma_start3A_540] : memref<2x16x50x32xf32, #tpu.memory_space<vmem>> -> memref<1x16x50x32xf32, #tpu.memory_space<vmem>>
        %dma_start3A_542 = tpu.memref_squeeze %dma_start3A_541 : memref<1x16x50x32xf32, #tpu.memory_space<vmem>> -> memref<16x50x32xf32, #tpu.memory_space<vmem>>
        %dma_start3A_543 = arith.constant 0 : i32
        %dma_start3A_544 = arith.constant 0 : i32
        %dma_start3A_545 = tpu.memref_slice %dma_start3A_542[%dma_start3A_537, %dma_start3A_543, %dma_start3A_544] : memref<16x50x32xf32, #tpu.memory_space<vmem>> -> memref<1x50x32xf32, #tpu.memory_space<vmem>>
        %dma_start3A_546 = tpu.memref_squeeze %dma_start3A_545 : memref<1x50x32xf32, #tpu.memory_space<vmem>> -> memref<50x32xf32, #tpu.memory_space<vmem>>
        %dma_start3A_547 = arith.constant 0 : i32
        %dma_start3A_548 = tpu.memref_slice %arg5[%add3A_535, %dma_start3A_547] : memref<512x50xi32, #tpu.memory_space<vmem>> -> memref<1x50xi32, #tpu.memory_space<vmem>>
        %dma_start3A_549 = tpu.memref_squeeze %dma_start3A_548 : memref<1x50xi32, #tpu.memory_space<vmem>> -> memref<50xi32, #tpu.memory_space<vmem>>
        %dma_start3A_550 = arith.constant 0 : i32
        %dma_start3A_551 = arith.constant 0 : i32
        %dma_start3A_552 = tpu.memref_slice %arg3[%dma_start3A_550, %dma_start3A_551] : memref<1000000x32xf32, #tpu.memory_space<hbm>> -> memref<1000000x32xf32, #tpu.memory_space<hbm>>
        tpu.enqueue_indirect_dma source(%dma_start3A_552 : memref<1000000x32xf32, #tpu.memory_space<hbm>>) target(%dma_start3A_546 : memref<50x32xf32, #tpu.memory_space<vmem>>) offsets(%dma_start3A_549 : memref<50xi32, #tpu.memory_space<vmem>>) semaphore(%arg8 : memref<!tpu.dma_semaphore, #tpu.memory_space<semaphore_mem>>)
        %mul3A_553 = arith.constant 16 : i32
        %mul3A_554 = arith.muli %add3A_384, %mul3A_553 : i32
        %add3A_555 = arith.constant 8 : i32
        %add3A_556 = arith.addi %mul3A_554, %add3A_555 : i32
        %dma_start3A_557 = arith.constant 1 : i32
        %dma_start3A_558 = arith.constant 8 : i32
        %dma_start3A_559 = arith.constant 0 : i32
        %dma_start3A_560 = arith.constant 0 : i32
        %dma_start3A_561 = arith.constant 0 : i32
        %dma_start3A_562 = tpu.memref_slice %arg6[%dma_start3A_557, %dma_start3A_559, %dma_start3A_560, %dma_start3A_561] : memref<2x16x50x32xf32, #tpu.memory_space<vmem>> -> memref<1x16x50x32xf32, #tpu.memory_space<vmem>>
        %dma_start3A_563 = tpu.memref_squeeze %dma_start3A_562 : memref<1x16x50x32xf32, #tpu.memory_space<vmem>> -> memref<16x50x32xf32, #tpu.memory_space<vmem>>
        %dma_start3A_564 = arith.constant 0 : i32
        %dma_start3A_565 = arith.constant 0 : i32
        %dma_start3A_566 = tpu.memref_slice %dma_start3A_563[%dma_start3A_558, %dma_start3A_564, %dma_start3A_565] : memref<16x50x32xf32, #tpu.memory_space<vmem>> -> memref<1x50x32xf32, #tpu.memory_space<vmem>>
        %dma_start3A_567 = tpu.memref_squeeze %dma_start3A_566 : memref<1x50x32xf32, #tpu.memory_space<vmem>> -> memref<50x32xf32, #tpu.memory_space<vmem>>
        %dma_start3A_568 = arith.constant 0 : i32
        %dma_start3A_569 = tpu.memref_slice %arg5[%add3A_556, %dma_start3A_568] : memref<512x50xi32, #tpu.memory_space<vmem>> -> memref<1x50xi32, #tpu.memory_space<vmem>>
        %dma_start3A_570 = tpu.memref_squeeze %dma_start3A_569 : memref<1x50xi32, #tpu.memory_space<vmem>> -> memref<50xi32, #tpu.memory_space<vmem>>
        %dma_start3A_571 = arith.constant 0 : i32
        %dma_start3A_572 = arith.constant 0 : i32
        %dma_start3A_573 = tpu.memref_slice %arg3[%dma_start3A_571, %dma_start3A_572] : memref<1000000x32xf32, #tpu.memory_space<hbm>> -> memref<1000000x32xf32, #tpu.memory_space<hbm>>
        tpu.enqueue_indirect_dma source(%dma_start3A_573 : memref<1000000x32xf32, #tpu.memory_space<hbm>>) target(%dma_start3A_567 : memref<50x32xf32, #tpu.memory_space<vmem>>) offsets(%dma_start3A_570 : memref<50xi32, #tpu.memory_space<vmem>>) semaphore(%arg8 : memref<!tpu.dma_semaphore, #tpu.memory_space<semaphore_mem>>)
        %mul3A_574 = arith.constant 16 : i32
        %mul3A_575 = arith.muli %add3A_384, %mul3A_574 : i32
        %add3A_576 = arith.constant 9 : i32
        %add3A_577 = arith.addi %mul3A_575, %add3A_576 : i32
        %dma_start3A_578 = arith.constant 1 : i32
        %dma_start3A_579 = arith.constant 9 : i32
        %dma_start3A_580 = arith.constant 0 : i32
        %dma_start3A_581 = arith.constant 0 : i32
        %dma_start3A_582 = arith.constant 0 : i32
        %dma_start3A_583 = tpu.memref_slice %arg6[%dma_start3A_578, %dma_start3A_580, %dma_start3A_581, %dma_start3A_582] : memref<2x16x50x32xf32, #tpu.memory_space<vmem>> -> memref<1x16x50x32xf32, #tpu.memory_space<vmem>>
        %dma_start3A_584 = tpu.memref_squeeze %dma_start3A_583 : memref<1x16x50x32xf32, #tpu.memory_space<vmem>> -> memref<16x50x32xf32, #tpu.memory_space<vmem>>
        %dma_start3A_585 = arith.constant 0 : i32
        %dma_start3A_586 = arith.constant 0 : i32
        %dma_start3A_587 = tpu.memref_slice %dma_start3A_584[%dma_start3A_579, %dma_start3A_585, %dma_start3A_586] : memref<16x50x32xf32, #tpu.memory_space<vmem>> -> memref<1x50x32xf32, #tpu.memory_space<vmem>>
        %dma_start3A_588 = tpu.memref_squeeze %dma_start3A_587 : memref<1x50x32xf32, #tpu.memory_space<vmem>> -> memref<50x32xf32, #tpu.memory_space<vmem>>
        %dma_start3A_589 = arith.constant 0 : i32
        %dma_start3A_590 = tpu.memref_slice %arg5[%add3A_577, %dma_start3A_589] : memref<512x50xi32, #tpu.memory_space<vmem>> -> memref<1x50xi32, #tpu.memory_space<vmem>>
        %dma_start3A_591 = tpu.memref_squeeze %dma_start3A_590 : memref<1x50xi32, #tpu.memory_space<vmem>> -> memref<50xi32, #tpu.memory_space<vmem>>
        %dma_start3A_592 = arith.constant 0 : i32
        %dma_start3A_593 = arith.constant 0 : i32
        %dma_start3A_594 = tpu.memref_slice %arg3[%dma_start3A_592, %dma_start3A_593] : memref<1000000x32xf32, #tpu.memory_space<hbm>> -> memref<1000000x32xf32, #tpu.memory_space<hbm>>
        tpu.enqueue_indirect_dma source(%dma_start3A_594 : memref<1000000x32xf32, #tpu.memory_space<hbm>>) target(%dma_start3A_588 : memref<50x32xf32, #tpu.memory_space<vmem>>) offsets(%dma_start3A_591 : memref<50xi32, #tpu.memory_space<vmem>>) semaphore(%arg8 : memref<!tpu.dma_semaphore, #tpu.memory_space<semaphore_mem>>)
        %mul3A_595 = arith.constant 16 : i32
        %mul3A_596 = arith.muli %add3A_384, %mul3A_595 : i32
        %add3A_597 = arith.constant 10 : i32
        %add3A_598 = arith.addi %mul3A_596, %add3A_597 : i32
        %dma_start3A_599 = arith.constant 1 : i32
        %dma_start3A_600 = arith.constant 10 : i32
        %dma_start3A_601 = arith.constant 0 : i32
        %dma_start3A_602 = arith.constant 0 : i32
        %dma_start3A_603 = arith.constant 0 : i32
        %dma_start3A_604 = tpu.memref_slice %arg6[%dma_start3A_599, %dma_start3A_601, %dma_start3A_602, %dma_start3A_603] : memref<2x16x50x32xf32, #tpu.memory_space<vmem>> -> memref<1x16x50x32xf32, #tpu.memory_space<vmem>>
        %dma_start3A_605 = tpu.memref_squeeze %dma_start3A_604 : memref<1x16x50x32xf32, #tpu.memory_space<vmem>> -> memref<16x50x32xf32, #tpu.memory_space<vmem>>
        %dma_start3A_606 = arith.constant 0 : i32
        %dma_start3A_607 = arith.constant 0 : i32
        %dma_start3A_608 = tpu.memref_slice %dma_start3A_605[%dma_start3A_600, %dma_start3A_606, %dma_start3A_607] : memref<16x50x32xf32, #tpu.memory_space<vmem>> -> memref<1x50x32xf32, #tpu.memory_space<vmem>>
        %dma_start3A_609 = tpu.memref_squeeze %dma_start3A_608 : memref<1x50x32xf32, #tpu.memory_space<vmem>> -> memref<50x32xf32, #tpu.memory_space<vmem>>
        %dma_start3A_610 = arith.constant 0 : i32
        %dma_start3A_611 = tpu.memref_slice %arg5[%add3A_598, %dma_start3A_610] : memref<512x50xi32, #tpu.memory_space<vmem>> -> memref<1x50xi32, #tpu.memory_space<vmem>>
        %dma_start3A_612 = tpu.memref_squeeze %dma_start3A_611 : memref<1x50xi32, #tpu.memory_space<vmem>> -> memref<50xi32, #tpu.memory_space<vmem>>
        %dma_start3A_613 = arith.constant 0 : i32
        %dma_start3A_614 = arith.constant 0 : i32
        %dma_start3A_615 = tpu.memref_slice %arg3[%dma_start3A_613, %dma_start3A_614] : memref<1000000x32xf32, #tpu.memory_space<hbm>> -> memref<1000000x32xf32, #tpu.memory_space<hbm>>
        tpu.enqueue_indirect_dma source(%dma_start3A_615 : memref<1000000x32xf32, #tpu.memory_space<hbm>>) target(%dma_start3A_609 : memref<50x32xf32, #tpu.memory_space<vmem>>) offsets(%dma_start3A_612 : memref<50xi32, #tpu.memory_space<vmem>>) semaphore(%arg8 : memref<!tpu.dma_semaphore, #tpu.memory_space<semaphore_mem>>)
        %mul3A_616 = arith.constant 16 : i32
        %mul3A_617 = arith.muli %add3A_384, %mul3A_616 : i32
        %add3A_618 = arith.constant 11 : i32
        %add3A_619 = arith.addi %mul3A_617, %add3A_618 : i32
        %dma_start3A_620 = arith.constant 1 : i32
        %dma_start3A_621 = arith.constant 11 : i32
        %dma_start3A_622 = arith.constant 0 : i32
        %dma_start3A_623 = arith.constant 0 : i32
        %dma_start3A_624 = arith.constant 0 : i32
        %dma_start3A_625 = tpu.memref_slice %arg6[%dma_start3A_620, %dma_start3A_622, %dma_start3A_623, %dma_start3A_624] : memref<2x16x50x32xf32, #tpu.memory_space<vmem>> -> memref<1x16x50x32xf32, #tpu.memory_space<vmem>>
        %dma_start3A_626 = tpu.memref_squeeze %dma_start3A_625 : memref<1x16x50x32xf32, #tpu.memory_space<vmem>> -> memref<16x50x32xf32, #tpu.memory_space<vmem>>
        %dma_start3A_627 = arith.constant 0 : i32
        %dma_start3A_628 = arith.constant 0 : i32
        %dma_start3A_629 = tpu.memref_slice %dma_start3A_626[%dma_start3A_621, %dma_start3A_627, %dma_start3A_628] : memref<16x50x32xf32, #tpu.memory_space<vmem>> -> memref<1x50x32xf32, #tpu.memory_space<vmem>>
        %dma_start3A_630 = tpu.memref_squeeze %dma_start3A_629 : memref<1x50x32xf32, #tpu.memory_space<vmem>> -> memref<50x32xf32, #tpu.memory_space<vmem>>
        %dma_start3A_631 = arith.constant 0 : i32
        %dma_start3A_632 = tpu.memref_slice %arg5[%add3A_619, %dma_start3A_631] : memref<512x50xi32, #tpu.memory_space<vmem>> -> memref<1x50xi32, #tpu.memory_space<vmem>>
        %dma_start3A_633 = tpu.memref_squeeze %dma_start3A_632 : memref<1x50xi32, #tpu.memory_space<vmem>> -> memref<50xi32, #tpu.memory_space<vmem>>
        %dma_start3A_634 = arith.constant 0 : i32
        %dma_start3A_635 = arith.constant 0 : i32
        %dma_start3A_636 = tpu.memref_slice %arg3[%dma_start3A_634, %dma_start3A_635] : memref<1000000x32xf32, #tpu.memory_space<hbm>> -> memref<1000000x32xf32, #tpu.memory_space<hbm>>
        tpu.enqueue_indirect_dma source(%dma_start3A_636 : memref<1000000x32xf32, #tpu.memory_space<hbm>>) target(%dma_start3A_630 : memref<50x32xf32, #tpu.memory_space<vmem>>) offsets(%dma_start3A_633 : memref<50xi32, #tpu.memory_space<vmem>>) semaphore(%arg8 : memref<!tpu.dma_semaphore, #tpu.memory_space<semaphore_mem>>)
        %mul3A_637 = arith.constant 16 : i32
        %mul3A_638 = arith.muli %add3A_384, %mul3A_637 : i32
        %add3A_639 = arith.constant 12 : i32
        %add3A_640 = arith.addi %mul3A_638, %add3A_639 : i32
        %dma_start3A_641 = arith.constant 1 : i32
        %dma_start3A_642 = arith.constant 12 : i32
        %dma_start3A_643 = arith.constant 0 : i32
        %dma_start3A_644 = arith.constant 0 : i32
        %dma_start3A_645 = arith.constant 0 : i32
        %dma_start3A_646 = tpu.memref_slice %arg6[%dma_start3A_641, %dma_start3A_643, %dma_start3A_644, %dma_start3A_645] : memref<2x16x50x32xf32, #tpu.memory_space<vmem>> -> memref<1x16x50x32xf32, #tpu.memory_space<vmem>>
        %dma_start3A_647 = tpu.memref_squeeze %dma_start3A_646 : memref<1x16x50x32xf32, #tpu.memory_space<vmem>> -> memref<16x50x32xf32, #tpu.memory_space<vmem>>
        %dma_start3A_648 = arith.constant 0 : i32
        %dma_start3A_649 = arith.constant 0 : i32
        %dma_start3A_650 = tpu.memref_slice %dma_start3A_647[%dma_start3A_642, %dma_start3A_648, %dma_start3A_649] : memref<16x50x32xf32, #tpu.memory_space<vmem>> -> memref<1x50x32xf32, #tpu.memory_space<vmem>>
        %dma_start3A_651 = tpu.memref_squeeze %dma_start3A_650 : memref<1x50x32xf32, #tpu.memory_space<vmem>> -> memref<50x32xf32, #tpu.memory_space<vmem>>
        %dma_start3A_652 = arith.constant 0 : i32
        %dma_start3A_653 = tpu.memref_slice %arg5[%add3A_640, %dma_start3A_652] : memref<512x50xi32, #tpu.memory_space<vmem>> -> memref<1x50xi32, #tpu.memory_space<vmem>>
        %dma_start3A_654 = tpu.memref_squeeze %dma_start3A_653 : memref<1x50xi32, #tpu.memory_space<vmem>> -> memref<50xi32, #tpu.memory_space<vmem>>
        %dma_start3A_655 = arith.constant 0 : i32
        %dma_start3A_656 = arith.constant 0 : i32
        %dma_start3A_657 = tpu.memref_slice %arg3[%dma_start3A_655, %dma_start3A_656] : memref<1000000x32xf32, #tpu.memory_space<hbm>> -> memref<1000000x32xf32, #tpu.memory_space<hbm>>
        tpu.enqueue_indirect_dma source(%dma_start3A_657 : memref<1000000x32xf32, #tpu.memory_space<hbm>>) target(%dma_start3A_651 : memref<50x32xf32, #tpu.memory_space<vmem>>) offsets(%dma_start3A_654 : memref<50xi32, #tpu.memory_space<vmem>>) semaphore(%arg8 : memref<!tpu.dma_semaphore, #tpu.memory_space<semaphore_mem>>)
        %mul3A_658 = arith.constant 16 : i32
        %mul3A_659 = arith.muli %add3A_384, %mul3A_658 : i32
        %add3A_660 = arith.constant 13 : i32
        %add3A_661 = arith.addi %mul3A_659, %add3A_660 : i32
        %dma_start3A_662 = arith.constant 1 : i32
        %dma_start3A_663 = arith.constant 13 : i32
        %dma_start3A_664 = arith.constant 0 : i32
        %dma_start3A_665 = arith.constant 0 : i32
        %dma_start3A_666 = arith.constant 0 : i32
        %dma_start3A_667 = tpu.memref_slice %arg6[%dma_start3A_662, %dma_start3A_664, %dma_start3A_665, %dma_start3A_666] : memref<2x16x50x32xf32, #tpu.memory_space<vmem>> -> memref<1x16x50x32xf32, #tpu.memory_space<vmem>>
        %dma_start3A_668 = tpu.memref_squeeze %dma_start3A_667 : memref<1x16x50x32xf32, #tpu.memory_space<vmem>> -> memref<16x50x32xf32, #tpu.memory_space<vmem>>
        %dma_start3A_669 = arith.constant 0 : i32
        %dma_start3A_670 = arith.constant 0 : i32
        %dma_start3A_671 = tpu.memref_slice %dma_start3A_668[%dma_start3A_663, %dma_start3A_669, %dma_start3A_670] : memref<16x50x32xf32, #tpu.memory_space<vmem>> -> memref<1x50x32xf32, #tpu.memory_space<vmem>>
        %dma_start3A_672 = tpu.memref_squeeze %dma_start3A_671 : memref<1x50x32xf32, #tpu.memory_space<vmem>> -> memref<50x32xf32, #tpu.memory_space<vmem>>
        %dma_start3A_673 = arith.constant 0 : i32
        %dma_start3A_674 = tpu.memref_slice %arg5[%add3A_661, %dma_start3A_673] : memref<512x50xi32, #tpu.memory_space<vmem>> -> memref<1x50xi32, #tpu.memory_space<vmem>>
        %dma_start3A_675 = tpu.memref_squeeze %dma_start3A_674 : memref<1x50xi32, #tpu.memory_space<vmem>> -> memref<50xi32, #tpu.memory_space<vmem>>
        %dma_start3A_676 = arith.constant 0 : i32
        %dma_start3A_677 = arith.constant 0 : i32
        %dma_start3A_678 = tpu.memref_slice %arg3[%dma_start3A_676, %dma_start3A_677] : memref<1000000x32xf32, #tpu.memory_space<hbm>> -> memref<1000000x32xf32, #tpu.memory_space<hbm>>
        tpu.enqueue_indirect_dma source(%dma_start3A_678 : memref<1000000x32xf32, #tpu.memory_space<hbm>>) target(%dma_start3A_672 : memref<50x32xf32, #tpu.memory_space<vmem>>) offsets(%dma_start3A_675 : memref<50xi32, #tpu.memory_space<vmem>>) semaphore(%arg8 : memref<!tpu.dma_semaphore, #tpu.memory_space<semaphore_mem>>)
        %mul3A_679 = arith.constant 16 : i32
        %mul3A_680 = arith.muli %add3A_384, %mul3A_679 : i32
        %add3A_681 = arith.constant 14 : i32
        %add3A_682 = arith.addi %mul3A_680, %add3A_681 : i32
        %dma_start3A_683 = arith.constant 1 : i32
        %dma_start3A_684 = arith.constant 14 : i32
        %dma_start3A_685 = arith.constant 0 : i32
        %dma_start3A_686 = arith.constant 0 : i32
        %dma_start3A_687 = arith.constant 0 : i32
        %dma_start3A_688 = tpu.memref_slice %arg6[%dma_start3A_683, %dma_start3A_685, %dma_start3A_686, %dma_start3A_687] : memref<2x16x50x32xf32, #tpu.memory_space<vmem>> -> memref<1x16x50x32xf32, #tpu.memory_space<vmem>>
        %dma_start3A_689 = tpu.memref_squeeze %dma_start3A_688 : memref<1x16x50x32xf32, #tpu.memory_space<vmem>> -> memref<16x50x32xf32, #tpu.memory_space<vmem>>
        %dma_start3A_690 = arith.constant 0 : i32
        %dma_start3A_691 = arith.constant 0 : i32
        %dma_start3A_692 = tpu.memref_slice %dma_start3A_689[%dma_start3A_684, %dma_start3A_690, %dma_start3A_691] : memref<16x50x32xf32, #tpu.memory_space<vmem>> -> memref<1x50x32xf32, #tpu.memory_space<vmem>>
        %dma_start3A_693 = tpu.memref_squeeze %dma_start3A_692 : memref<1x50x32xf32, #tpu.memory_space<vmem>> -> memref<50x32xf32, #tpu.memory_space<vmem>>
        %dma_start3A_694 = arith.constant 0 : i32
        %dma_start3A_695 = tpu.memref_slice %arg5[%add3A_682, %dma_start3A_694] : memref<512x50xi32, #tpu.memory_space<vmem>> -> memref<1x50xi32, #tpu.memory_space<vmem>>
        %dma_start3A_696 = tpu.memref_squeeze %dma_start3A_695 : memref<1x50xi32, #tpu.memory_space<vmem>> -> memref<50xi32, #tpu.memory_space<vmem>>
        %dma_start3A_697 = arith.constant 0 : i32
        %dma_start3A_698 = arith.constant 0 : i32
        %dma_start3A_699 = tpu.memref_slice %arg3[%dma_start3A_697, %dma_start3A_698] : memref<1000000x32xf32, #tpu.memory_space<hbm>> -> memref<1000000x32xf32, #tpu.memory_space<hbm>>
        tpu.enqueue_indirect_dma source(%dma_start3A_699 : memref<1000000x32xf32, #tpu.memory_space<hbm>>) target(%dma_start3A_693 : memref<50x32xf32, #tpu.memory_space<vmem>>) offsets(%dma_start3A_696 : memref<50xi32, #tpu.memory_space<vmem>>) semaphore(%arg8 : memref<!tpu.dma_semaphore, #tpu.memory_space<semaphore_mem>>)
        %mul3A_700 = arith.constant 16 : i32
        %mul3A_701 = arith.muli %add3A_384, %mul3A_700 : i32
        %add3A_702 = arith.constant 15 : i32
        %add3A_703 = arith.addi %mul3A_701, %add3A_702 : i32
        %dma_start3A_704 = arith.constant 1 : i32
        %dma_start3A_705 = arith.constant 15 : i32
        %dma_start3A_706 = arith.constant 0 : i32
        %dma_start3A_707 = arith.constant 0 : i32
        %dma_start3A_708 = arith.constant 0 : i32
        %dma_start3A_709 = tpu.memref_slice %arg6[%dma_start3A_704, %dma_start3A_706, %dma_start3A_707, %dma_start3A_708] : memref<2x16x50x32xf32, #tpu.memory_space<vmem>> -> memref<1x16x50x32xf32, #tpu.memory_space<vmem>>
        %dma_start3A_710 = tpu.memref_squeeze %dma_start3A_709 : memref<1x16x50x32xf32, #tpu.memory_space<vmem>> -> memref<16x50x32xf32, #tpu.memory_space<vmem>>
        %dma_start3A_711 = arith.constant 0 : i32
        %dma_start3A_712 = arith.constant 0 : i32
        %dma_start3A_713 = tpu.memref_slice %dma_start3A_710[%dma_start3A_705, %dma_start3A_711, %dma_start3A_712] : memref<16x50x32xf32, #tpu.memory_space<vmem>> -> memref<1x50x32xf32, #tpu.memory_space<vmem>>
        %dma_start3A_714 = tpu.memref_squeeze %dma_start3A_713 : memref<1x50x32xf32, #tpu.memory_space<vmem>> -> memref<50x32xf32, #tpu.memory_space<vmem>>
        %dma_start3A_715 = arith.constant 0 : i32
        %dma_start3A_716 = tpu.memref_slice %arg5[%add3A_703, %dma_start3A_715] : memref<512x50xi32, #tpu.memory_space<vmem>> -> memref<1x50xi32, #tpu.memory_space<vmem>>
        %dma_start3A_717 = tpu.memref_squeeze %dma_start3A_716 : memref<1x50xi32, #tpu.memory_space<vmem>> -> memref<50xi32, #tpu.memory_space<vmem>>
        %dma_start3A_718 = arith.constant 0 : i32
        %dma_start3A_719 = arith.constant 0 : i32
        %dma_start3A_720 = tpu.memref_slice %arg3[%dma_start3A_718, %dma_start3A_719] : memref<1000000x32xf32, #tpu.memory_space<hbm>> -> memref<1000000x32xf32, #tpu.memory_space<hbm>>
        tpu.enqueue_indirect_dma source(%dma_start3A_720 : memref<1000000x32xf32, #tpu.memory_space<hbm>>) target(%dma_start3A_714 : memref<50x32xf32, #tpu.memory_space<vmem>>) offsets(%dma_start3A_717 : memref<50xi32, #tpu.memory_space<vmem>>) semaphore(%arg8 : memref<!tpu.dma_semaphore, #tpu.memory_space<semaphore_mem>>)
        %dma_wait3A_721 = arith.constant 0 : i32
        %dma_wait3A_722 = arith.constant 0 : i32
        %dma_wait3A_723 = arith.constant 0 : i32
        %dma_wait3A_724 = arith.constant 0 : i32
        %dma_wait3A_725 = tpu.memref_slice %arg6[%dma_wait3A_721, %dma_wait3A_722, %dma_wait3A_723, %dma_wait3A_724] : memref<2x16x50x32xf32, #tpu.memory_space<vmem>> -> memref<1x16x50x32xf32, #tpu.memory_space<vmem>>
        %dma_wait3A_726 = tpu.memref_squeeze %dma_wait3A_725 : memref<1x16x50x32xf32, #tpu.memory_space<vmem>> -> memref<16x50x32xf32, #tpu.memory_space<vmem>>
        %dma_wait3A_727 = arith.constant 0 : i32
        %dma_wait3A_728 = arith.constant 0 : i32
        %dma_wait3A_729 = arith.constant 0 : i32
        %dma_wait3A_730 = tpu.memref_slice %arg4[%dma_wait3A_727, %dma_wait3A_728, %dma_wait3A_729] : memref<16384x50x32xf32, #tpu.memory_space<hbm>> -> memref<16x50x32xf32, #tpu.memory_space<hbm>>
        %dma_wait3A_731 = arith.constant 0 : i32
        %dma_wait3A_732 = arith.constant 0 : i32
        %dma_wait3A_733 = arith.constant 0 : i32
        %dma_wait3A_734 = tpu.memref_slice %arg6[%dma_wait3A_721, %dma_wait3A_731, %dma_wait3A_732, %dma_wait3A_733] : memref<2x16x50x32xf32, #tpu.memory_space<vmem>> -> memref<1x16x50x32xf32, #tpu.memory_space<vmem>>
        %dma_wait3A_735 = tpu.memref_squeeze %dma_wait3A_734 : memref<1x16x50x32xf32, #tpu.memory_space<vmem>> -> memref<16x50x32xf32, #tpu.memory_space<vmem>>
        %dma_wait3A_736 = arith.constant 0 : i32
        %dma_wait3A_737 = arith.constant 0 : i32
        %dma_wait3A_738 = arith.constant 0 : i32
        %dma_wait3A_739 = tpu.memref_slice %arg4[%dma_wait3A_736, %dma_wait3A_737, %dma_wait3A_738] : memref<16384x50x32xf32, #tpu.memory_space<hbm>> -> memref<16x50x32xf32, #tpu.memory_space<hbm>>
        tpu.wait_dma2 semaphore(%arg7 : memref<!tpu.dma_semaphore, #tpu.memory_space<semaphore_mem>>) src(%dma_wait3A_739 : memref<16x50x32xf32, #tpu.memory_space<hbm>>) dst(%dma_wait3A_735 : memref<16x50x32xf32, #tpu.memory_space<vmem>>)
        %mul3A_740 = arith.constant 16 : i32
        %mul3A_741 = arith.muli %scan3A_370, %mul3A_740 : i32
        %add3A_742 = arith.addi %mul3A_2, %mul3A_741 : i32
        %dma_start3A_743 = arith.constant 0 : i32
        %dma_start3A_744 = arith.constant 0 : i32
        %dma_start3A_745 = arith.constant 0 : i32
        %dma_start3A_746 = arith.constant 0 : i32
        %dma_start3A_747 = tpu.memref_slice %arg6[%dma_start3A_743, %dma_start3A_744, %dma_start3A_745, %dma_start3A_746] : memref<2x16x50x32xf32, #tpu.memory_space<vmem>> -> memref<1x16x50x32xf32, #tpu.memory_space<vmem>>
        %dma_start3A_748 = tpu.memref_squeeze %dma_start3A_747 : memref<1x16x50x32xf32, #tpu.memory_space<vmem>> -> memref<16x50x32xf32, #tpu.memory_space<vmem>>
        %dma_start3A_749 = arith.constant 0 : i32
        %dma_start3A_750 = arith.constant 0 : i32
        %dma_start3A_751 = tpu.memref_slice %arg4[%add3A_742, %dma_start3A_749, %dma_start3A_750] : memref<16384x50x32xf32, #tpu.memory_space<hbm>> -> memref<16x50x32xf32, #tpu.memory_space<hbm>>
        %dma_start3A_752 = arith.constant 0 : i32
        %dma_start3A_753 = arith.constant 0 : i32
        %dma_start3A_754 = tpu.memref_slice %arg4[%add3A_742, %dma_start3A_752, %dma_start3A_753] : memref<16384x50x32xf32, #tpu.memory_space<hbm>> -> memref<16x50x32xf32, #tpu.memory_space<hbm>>
        %dma_start3A_755 = arith.constant 0 : i32
        %dma_start3A_756 = arith.constant 0 : i32
        %dma_start3A_757 = arith.constant 0 : i32
        %dma_start3A_758 = tpu.memref_slice %arg6[%dma_start3A_743, %dma_start3A_755, %dma_start3A_756, %dma_start3A_757] : memref<2x16x50x32xf32, #tpu.memory_space<vmem>> -> memref<1x16x50x32xf32, #tpu.memory_space<vmem>>
        %dma_start3A_759 = tpu.memref_squeeze %dma_start3A_758 : memref<1x16x50x32xf32, #tpu.memory_space<vmem>> -> memref<16x50x32xf32, #tpu.memory_space<vmem>>
        tpu.enqueue_dma source(%dma_start3A_759 : memref<16x50x32xf32, #tpu.memory_space<vmem>>) target(%dma_start3A_754 : memref<16x50x32xf32, #tpu.memory_space<hbm>>) target_semaphore(%arg9 : memref<!tpu.dma_semaphore, #tpu.memory_space<semaphore_mem>>)
      } else {
      }
      %eq3A_374 = arith.constant 1 : i32
      %eq3A_375 = arith.cmpi eq, %rem3A_371, %eq3A_374 : i32
      %convert_element_type3A_376 = arith.extui %eq3A_375 : i1 to i32
      %cond3A_377 = arith.constant 0 : i32
      %cond3A_378 = arith.cmpi ne, %convert_element_type3A_376, %cond3A_377 : i32
      scf.if %cond3A_378 {
        %dma_wait3A_379 = arith.constant 0 : i32
        %dma_wait3A_380 = arith.constant 0 : i32
        %dma_wait3A_381 = arith.constant 0 : i32
        %dma_wait3A_382 = arith.constant 0 : i32
        %dma_wait3A_383 = tpu.memref_slice %arg6[%dma_wait3A_379, %dma_wait3A_380, %dma_wait3A_381, %dma_wait3A_382] : memref<2x16x50x32xf32, #tpu.memory_space<vmem>> -> memref<1x16x50x32xf32, #tpu.memory_space<vmem>>
        %dma_wait3A_384 = tpu.memref_squeeze %dma_wait3A_383 : memref<1x16x50x32xf32, #tpu.memory_space<vmem>> -> memref<16x50x32xf32, #tpu.memory_space<vmem>>
        %dma_wait3A_385 = arith.constant 0 : i32
        %dma_wait3A_386 = arith.constant 0 : i32
        %dma_wait3A_387 = arith.constant 0 : i32
        %dma_wait3A_388 = tpu.memref_slice %arg4[%dma_wait3A_385, %dma_wait3A_386, %dma_wait3A_387] : memref<16384x50x32xf32, #tpu.memory_space<hbm>> -> memref<16x50x32xf32, #tpu.memory_space<hbm>>
        %dma_wait3A_389 = arith.constant 0 : i32
        %dma_wait3A_390 = arith.constant 0 : i32
        %dma_wait3A_391 = arith.constant 0 : i32
        %dma_wait3A_392 = tpu.memref_slice %arg6[%dma_wait3A_379, %dma_wait3A_389, %dma_wait3A_390, %dma_wait3A_391] : memref<2x16x50x32xf32, #tpu.memory_space<vmem>> -> memref<1x16x50x32xf32, #tpu.memory_space<vmem>>
        %dma_wait3A_393 = tpu.memref_squeeze %dma_wait3A_392 : memref<1x16x50x32xf32, #tpu.memory_space<vmem>> -> memref<16x50x32xf32, #tpu.memory_space<vmem>>
        %dma_wait3A_394 = arith.constant 0 : i32
        %dma_wait3A_395 = arith.constant 0 : i32
        %dma_wait3A_396 = arith.constant 0 : i32
        %dma_wait3A_397 = tpu.memref_slice %arg4[%dma_wait3A_394, %dma_wait3A_395, %dma_wait3A_396] : memref<16384x50x32xf32, #tpu.memory_space<hbm>> -> memref<16x50x32xf32, #tpu.memory_space<hbm>>
        tpu.wait_dma2 semaphore(%arg9 : memref<!tpu.dma_semaphore, #tpu.memory_space<semaphore_mem>>) src(%dma_wait3A_397 : memref<16x50x32xf32, #tpu.memory_space<hbm>>) dst(%dma_wait3A_393 : memref<16x50x32xf32, #tpu.memory_space<vmem>>)
        %add3A_398 = arith.constant 1 : i32
        %add3A_399 = arith.addi %scan3A_370, %add3A_398 : i32
        %mul3A_400 = arith.constant 16 : i32
        %mul3A_401 = arith.muli %add3A_399, %mul3A_400 : i32
        %add3A_402 = arith.constant 0 : i32
        %add3A_403 = arith.addi %mul3A_401, %add3A_402 : i32
        %dma_start3A_404 = arith.constant 0 : i32
        %dma_start3A_405 = arith.constant 0 : i32
        %dma_start3A_406 = arith.constant 0 : i32
        %dma_start3A_407 = arith.constant 0 : i32
        %dma_start3A_408 = arith.constant 0 : i32
        %dma_start3A_409 = tpu.memref_slice %arg6[%dma_start3A_404, %dma_start3A_406, %dma_start3A_407, %dma_start3A_408] : memref<2x16x50x32xf32, #tpu.memory_space<vmem>> -> memref<1x16x50x32xf32, #tpu.memory_space<vmem>>
        %dma_start3A_410 = tpu.memref_squeeze %dma_start3A_409 : memref<1x16x50x32xf32, #tpu.memory_space<vmem>> -> memref<16x50x32xf32, #tpu.memory_space<vmem>>
        %dma_start3A_411 = arith.constant 0 : i32
        %dma_start3A_412 = arith.constant 0 : i32
        %dma_start3A_413 = tpu.memref_slice %dma_start3A_410[%dma_start3A_405, %dma_start3A_411, %dma_start3A_412] : memref<16x50x32xf32, #tpu.memory_space<vmem>> -> memref<1x50x32xf32, #tpu.memory_space<vmem>>
        %dma_start3A_414 = tpu.memref_squeeze %dma_start3A_413 : memref<1x50x32xf32, #tpu.memory_space<vmem>> -> memref<50x32xf32, #tpu.memory_space<vmem>>
        %dma_start3A_415 = arith.constant 0 : i32
        %dma_start3A_416 = tpu.memref_slice %arg5[%add3A_403, %dma_start3A_415] : memref<512x50xi32, #tpu.memory_space<vmem>> -> memref<1x50xi32, #tpu.memory_space<vmem>>
        %dma_start3A_417 = tpu.memref_squeeze %dma_start3A_416 : memref<1x50xi32, #tpu.memory_space<vmem>> -> memref<50xi32, #tpu.memory_space<vmem>>
        %dma_start3A_418 = arith.constant 0 : i32
        %dma_start3A_419 = arith.constant 0 : i32
        %dma_start3A_420 = tpu.memref_slice %arg3[%dma_start3A_418, %dma_start3A_419] : memref<1000000x32xf32, #tpu.memory_space<hbm>> -> memref<1000000x32xf32, #tpu.memory_space<hbm>>
        tpu.enqueue_indirect_dma source(%dma_start3A_420 : memref<1000000x32xf32, #tpu.memory_space<hbm>>) target(%dma_start3A_414 : memref<50x32xf32, #tpu.memory_space<vmem>>) offsets(%dma_start3A_417 : memref<50xi32, #tpu.memory_space<vmem>>) semaphore(%arg7 : memref<!tpu.dma_semaphore, #tpu.memory_space<semaphore_mem>>)
        %mul3A_421 = arith.constant 16 : i32
        %mul3A_422 = arith.muli %add3A_399, %mul3A_421 : i32
        %add3A_423 = arith.constant 1 : i32
        %add3A_424 = arith.addi %mul3A_422, %add3A_423 : i32
        %dma_start3A_425 = arith.constant 0 : i32
        %dma_start3A_426 = arith.constant 1 : i32
        %dma_start3A_427 = arith.constant 0 : i32
        %dma_start3A_428 = arith.constant 0 : i32
        %dma_start3A_429 = arith.constant 0 : i32
        %dma_start3A_430 = tpu.memref_slice %arg6[%dma_start3A_425, %dma_start3A_427, %dma_start3A_428, %dma_start3A_429] : memref<2x16x50x32xf32, #tpu.memory_space<vmem>> -> memref<1x16x50x32xf32, #tpu.memory_space<vmem>>
        %dma_start3A_431 = tpu.memref_squeeze %dma_start3A_430 : memref<1x16x50x32xf32, #tpu.memory_space<vmem>> -> memref<16x50x32xf32, #tpu.memory_space<vmem>>
        %dma_start3A_432 = arith.constant 0 : i32
        %dma_start3A_433 = arith.constant 0 : i32
        %dma_start3A_434 = tpu.memref_slice %dma_start3A_431[%dma_start3A_426, %dma_start3A_432, %dma_start3A_433] : memref<16x50x32xf32, #tpu.memory_space<vmem>> -> memref<1x50x32xf32, #tpu.memory_space<vmem>>
        %dma_start3A_435 = tpu.memref_squeeze %dma_start3A_434 : memref<1x50x32xf32, #tpu.memory_space<vmem>> -> memref<50x32xf32, #tpu.memory_space<vmem>>
        %dma_start3A_436 = arith.constant 0 : i32
        %dma_start3A_437 = tpu.memref_slice %arg5[%add3A_424, %dma_start3A_436] : memref<512x50xi32, #tpu.memory_space<vmem>> -> memref<1x50xi32, #tpu.memory_space<vmem>>
        %dma_start3A_438 = tpu.memref_squeeze %dma_start3A_437 : memref<1x50xi32, #tpu.memory_space<vmem>> -> memref<50xi32, #tpu.memory_space<vmem>>
        %dma_start3A_439 = arith.constant 0 : i32
        %dma_start3A_440 = arith.constant 0 : i32
        %dma_start3A_441 = tpu.memref_slice %arg3[%dma_start3A_439, %dma_start3A_440] : memref<1000000x32xf32, #tpu.memory_space<hbm>> -> memref<1000000x32xf32, #tpu.memory_space<hbm>>
        tpu.enqueue_indirect_dma source(%dma_start3A_441 : memref<1000000x32xf32, #tpu.memory_space<hbm>>) target(%dma_start3A_435 : memref<50x32xf32, #tpu.memory_space<vmem>>) offsets(%dma_start3A_438 : memref<50xi32, #tpu.memory_space<vmem>>) semaphore(%arg7 : memref<!tpu.dma_semaphore, #tpu.memory_space<semaphore_mem>>)
        %mul3A_442 = arith.constant 16 : i32
        %mul3A_443 = arith.muli %add3A_399, %mul3A_442 : i32
        %add3A_444 = arith.constant 2 : i32
        %add3A_445 = arith.addi %mul3A_443, %add3A_444 : i32
        %dma_start3A_446 = arith.constant 0 : i32
        %dma_start3A_447 = arith.constant 2 : i32
        %dma_start3A_448 = arith.constant 0 : i32
        %dma_start3A_449 = arith.constant 0 : i32
        %dma_start3A_450 = arith.constant 0 : i32
        %dma_start3A_451 = tpu.memref_slice %arg6[%dma_start3A_446, %dma_start3A_448, %dma_start3A_449, %dma_start3A_450] : memref<2x16x50x32xf32, #tpu.memory_space<vmem>> -> memref<1x16x50x32xf32, #tpu.memory_space<vmem>>
        %dma_start3A_452 = tpu.memref_squeeze %dma_start3A_451 : memref<1x16x50x32xf32, #tpu.memory_space<vmem>> -> memref<16x50x32xf32, #tpu.memory_space<vmem>>
        %dma_start3A_453 = arith.constant 0 : i32
        %dma_start3A_454 = arith.constant 0 : i32
        %dma_start3A_455 = tpu.memref_slice %dma_start3A_452[%dma_start3A_447, %dma_start3A_453, %dma_start3A_454] : memref<16x50x32xf32, #tpu.memory_space<vmem>> -> memref<1x50x32xf32, #tpu.memory_space<vmem>>
        %dma_start3A_456 = tpu.memref_squeeze %dma_start3A_455 : memref<1x50x32xf32, #tpu.memory_space<vmem>> -> memref<50x32xf32, #tpu.memory_space<vmem>>
        %dma_start3A_457 = arith.constant 0 : i32
        %dma_start3A_458 = tpu.memref_slice %arg5[%add3A_445, %dma_start3A_457] : memref<512x50xi32, #tpu.memory_space<vmem>> -> memref<1x50xi32, #tpu.memory_space<vmem>>
        %dma_start3A_459 = tpu.memref_squeeze %dma_start3A_458 : memref<1x50xi32, #tpu.memory_space<vmem>> -> memref<50xi32, #tpu.memory_space<vmem>>
        %dma_start3A_460 = arith.constant 0 : i32
        %dma_start3A_461 = arith.constant 0 : i32
        %dma_start3A_462 = tpu.memref_slice %arg3[%dma_start3A_460, %dma_start3A_461] : memref<1000000x32xf32, #tpu.memory_space<hbm>> -> memref<1000000x32xf32, #tpu.memory_space<hbm>>
        tpu.enqueue_indirect_dma source(%dma_start3A_462 : memref<1000000x32xf32, #tpu.memory_space<hbm>>) target(%dma_start3A_456 : memref<50x32xf32, #tpu.memory_space<vmem>>) offsets(%dma_start3A_459 : memref<50xi32, #tpu.memory_space<vmem>>) semaphore(%arg7 : memref<!tpu.dma_semaphore, #tpu.memory_space<semaphore_mem>>)
        %mul3A_463 = arith.constant 16 : i32
        %mul3A_464 = arith.muli %add3A_399, %mul3A_463 : i32
        %add3A_465 = arith.constant 3 : i32
        %add3A_466 = arith.addi %mul3A_464, %add3A_465 : i32
        %dma_start3A_467 = arith.constant 0 : i32
        %dma_start3A_468 = arith.constant 3 : i32
        %dma_start3A_469 = arith.constant 0 : i32
        %dma_start3A_470 = arith.constant 0 : i32
        %dma_start3A_471 = arith.constant 0 : i32
        %dma_start3A_472 = tpu.memref_slice %arg6[%dma_start3A_467, %dma_start3A_469, %dma_start3A_470, %dma_start3A_471] : memref<2x16x50x32xf32, #tpu.memory_space<vmem>> -> memref<1x16x50x32xf32, #tpu.memory_space<vmem>>
        %dma_start3A_473 = tpu.memref_squeeze %dma_start3A_472 : memref<1x16x50x32xf32, #tpu.memory_space<vmem>> -> memref<16x50x32xf32, #tpu.memory_space<vmem>>
        %dma_start3A_474 = arith.constant 0 : i32
        %dma_start3A_475 = arith.constant 0 : i32
        %dma_start3A_476 = tpu.memref_slice %dma_start3A_473[%dma_start3A_468, %dma_start3A_474, %dma_start3A_475] : memref<16x50x32xf32, #tpu.memory_space<vmem>> -> memref<1x50x32xf32, #tpu.memory_space<vmem>>
        %dma_start3A_477 = tpu.memref_squeeze %dma_start3A_476 : memref<1x50x32xf32, #tpu.memory_space<vmem>> -> memref<50x32xf32, #tpu.memory_space<vmem>>
        %dma_start3A_478 = arith.constant 0 : i32
        %dma_start3A_479 = tpu.memref_slice %arg5[%add3A_466, %dma_start3A_478] : memref<512x50xi32, #tpu.memory_space<vmem>> -> memref<1x50xi32, #tpu.memory_space<vmem>>
        %dma_start3A_480 = tpu.memref_squeeze %dma_start3A_479 : memref<1x50xi32, #tpu.memory_space<vmem>> -> memref<50xi32, #tpu.memory_space<vmem>>
        %dma_start3A_481 = arith.constant 0 : i32
        %dma_start3A_482 = arith.constant 0 : i32
        %dma_start3A_483 = tpu.memref_slice %arg3[%dma_start3A_481, %dma_start3A_482] : memref<1000000x32xf32, #tpu.memory_space<hbm>> -> memref<1000000x32xf32, #tpu.memory_space<hbm>>
        tpu.enqueue_indirect_dma source(%dma_start3A_483 : memref<1000000x32xf32, #tpu.memory_space<hbm>>) target(%dma_start3A_477 : memref<50x32xf32, #tpu.memory_space<vmem>>) offsets(%dma_start3A_480 : memref<50xi32, #tpu.memory_space<vmem>>) semaphore(%arg7 : memref<!tpu.dma_semaphore, #tpu.memory_space<semaphore_mem>>)
        %mul3A_484 = arith.constant 16 : i32
        %mul3A_485 = arith.muli %add3A_399, %mul3A_484 : i32
        %add3A_486 = arith.constant 4 : i32
        %add3A_487 = arith.addi %mul3A_485, %add3A_486 : i32
        %dma_start3A_488 = arith.constant 0 : i32
        %dma_start3A_489 = arith.constant 4 : i32
        %dma_start3A_490 = arith.constant 0 : i32
        %dma_start3A_491 = arith.constant 0 : i32
        %dma_start3A_492 = arith.constant 0 : i32
        %dma_start3A_493 = tpu.memref_slice %arg6[%dma_start3A_488, %dma_start3A_490, %dma_start3A_491, %dma_start3A_492] : memref<2x16x50x32xf32, #tpu.memory_space<vmem>> -> memref<1x16x50x32xf32, #tpu.memory_space<vmem>>
        %dma_start3A_494 = tpu.memref_squeeze %dma_start3A_493 : memref<1x16x50x32xf32, #tpu.memory_space<vmem>> -> memref<16x50x32xf32, #tpu.memory_space<vmem>>
        %dma_start3A_495 = arith.constant 0 : i32
        %dma_start3A_496 = arith.constant 0 : i32
        %dma_start3A_497 = tpu.memref_slice %dma_start3A_494[%dma_start3A_489, %dma_start3A_495, %dma_start3A_496] : memref<16x50x32xf32, #tpu.memory_space<vmem>> -> memref<1x50x32xf32, #tpu.memory_space<vmem>>
        %dma_start3A_498 = tpu.memref_squeeze %dma_start3A_497 : memref<1x50x32xf32, #tpu.memory_space<vmem>> -> memref<50x32xf32, #tpu.memory_space<vmem>>
        %dma_start3A_499 = arith.constant 0 : i32
        %dma_start3A_500 = tpu.memref_slice %arg5[%add3A_487, %dma_start3A_499] : memref<512x50xi32, #tpu.memory_space<vmem>> -> memref<1x50xi32, #tpu.memory_space<vmem>>
        %dma_start3A_501 = tpu.memref_squeeze %dma_start3A_500 : memref<1x50xi32, #tpu.memory_space<vmem>> -> memref<50xi32, #tpu.memory_space<vmem>>
        %dma_start3A_502 = arith.constant 0 : i32
        %dma_start3A_503 = arith.constant 0 : i32
        %dma_start3A_504 = tpu.memref_slice %arg3[%dma_start3A_502, %dma_start3A_503] : memref<1000000x32xf32, #tpu.memory_space<hbm>> -> memref<1000000x32xf32, #tpu.memory_space<hbm>>
        tpu.enqueue_indirect_dma source(%dma_start3A_504 : memref<1000000x32xf32, #tpu.memory_space<hbm>>) target(%dma_start3A_498 : memref<50x32xf32, #tpu.memory_space<vmem>>) offsets(%dma_start3A_501 : memref<50xi32, #tpu.memory_space<vmem>>) semaphore(%arg7 : memref<!tpu.dma_semaphore, #tpu.memory_space<semaphore_mem>>)
        %mul3A_505 = arith.constant 16 : i32
        %mul3A_506 = arith.muli %add3A_399, %mul3A_505 : i32
        %add3A_507 = arith.constant 5 : i32
        %add3A_508 = arith.addi %mul3A_506, %add3A_507 : i32
        %dma_start3A_509 = arith.constant 0 : i32
        %dma_start3A_510 = arith.constant 5 : i32
        %dma_start3A_511 = arith.constant 0 : i32
        %dma_start3A_512 = arith.constant 0 : i32
        %dma_start3A_513 = arith.constant 0 : i32
        %dma_start3A_514 = tpu.memref_slice %arg6[%dma_start3A_509, %dma_start3A_511, %dma_start3A_512, %dma_start3A_513] : memref<2x16x50x32xf32, #tpu.memory_space<vmem>> -> memref<1x16x50x32xf32, #tpu.memory_space<vmem>>
        %dma_start3A_515 = tpu.memref_squeeze %dma_start3A_514 : memref<1x16x50x32xf32, #tpu.memory_space<vmem>> -> memref<16x50x32xf32, #tpu.memory_space<vmem>>
        %dma_start3A_516 = arith.constant 0 : i32
        %dma_start3A_517 = arith.constant 0 : i32
        %dma_start3A_518 = tpu.memref_slice %dma_start3A_515[%dma_start3A_510, %dma_start3A_516, %dma_start3A_517] : memref<16x50x32xf32, #tpu.memory_space<vmem>> -> memref<1x50x32xf32, #tpu.memory_space<vmem>>
        %dma_start3A_519 = tpu.memref_squeeze %dma_start3A_518 : memref<1x50x32xf32, #tpu.memory_space<vmem>> -> memref<50x32xf32, #tpu.memory_space<vmem>>
        %dma_start3A_520 = arith.constant 0 : i32
        %dma_start3A_521 = tpu.memref_slice %arg5[%add3A_508, %dma_start3A_520] : memref<512x50xi32, #tpu.memory_space<vmem>> -> memref<1x50xi32, #tpu.memory_space<vmem>>
        %dma_start3A_522 = tpu.memref_squeeze %dma_start3A_521 : memref<1x50xi32, #tpu.memory_space<vmem>> -> memref<50xi32, #tpu.memory_space<vmem>>
        %dma_start3A_523 = arith.constant 0 : i32
        %dma_start3A_524 = arith.constant 0 : i32
        %dma_start3A_525 = tpu.memref_slice %arg3[%dma_start3A_523, %dma_start3A_524] : memref<1000000x32xf32, #tpu.memory_space<hbm>> -> memref<1000000x32xf32, #tpu.memory_space<hbm>>
        tpu.enqueue_indirect_dma source(%dma_start3A_525 : memref<1000000x32xf32, #tpu.memory_space<hbm>>) target(%dma_start3A_519 : memref<50x32xf32, #tpu.memory_space<vmem>>) offsets(%dma_start3A_522 : memref<50xi32, #tpu.memory_space<vmem>>) semaphore(%arg7 : memref<!tpu.dma_semaphore, #tpu.memory_space<semaphore_mem>>)
        %mul3A_526 = arith.constant 16 : i32
        %mul3A_527 = arith.muli %add3A_399, %mul3A_526 : i32
        %add3A_528 = arith.constant 6 : i32
        %add3A_529 = arith.addi %mul3A_527, %add3A_528 : i32
        %dma_start3A_530 = arith.constant 0 : i32
        %dma_start3A_531 = arith.constant 6 : i32
        %dma_start3A_532 = arith.constant 0 : i32
        %dma_start3A_533 = arith.constant 0 : i32
        %dma_start3A_534 = arith.constant 0 : i32
        %dma_start3A_535 = tpu.memref_slice %arg6[%dma_start3A_530, %dma_start3A_532, %dma_start3A_533, %dma_start3A_534] : memref<2x16x50x32xf32, #tpu.memory_space<vmem>> -> memref<1x16x50x32xf32, #tpu.memory_space<vmem>>
        %dma_start3A_536 = tpu.memref_squeeze %dma_start3A_535 : memref<1x16x50x32xf32, #tpu.memory_space<vmem>> -> memref<16x50x32xf32, #tpu.memory_space<vmem>>
        %dma_start3A_537 = arith.constant 0 : i32
        %dma_start3A_538 = arith.constant 0 : i32
        %dma_start3A_539 = tpu.memref_slice %dma_start3A_536[%dma_start3A_531, %dma_start3A_537, %dma_start3A_538] : memref<16x50x32xf32, #tpu.memory_space<vmem>> -> memref<1x50x32xf32, #tpu.memory_space<vmem>>
        %dma_start3A_540 = tpu.memref_squeeze %dma_start3A_539 : memref<1x50x32xf32, #tpu.memory_space<vmem>> -> memref<50x32xf32, #tpu.memory_space<vmem>>
        %dma_start3A_541 = arith.constant 0 : i32
        %dma_start3A_542 = tpu.memref_slice %arg5[%add3A_529, %dma_start3A_541] : memref<512x50xi32, #tpu.memory_space<vmem>> -> memref<1x50xi32, #tpu.memory_space<vmem>>
        %dma_start3A_543 = tpu.memref_squeeze %dma_start3A_542 : memref<1x50xi32, #tpu.memory_space<vmem>> -> memref<50xi32, #tpu.memory_space<vmem>>
        %dma_start3A_544 = arith.constant 0 : i32
        %dma_start3A_545 = arith.constant 0 : i32
        %dma_start3A_546 = tpu.memref_slice %arg3[%dma_start3A_544, %dma_start3A_545] : memref<1000000x32xf32, #tpu.memory_space<hbm>> -> memref<1000000x32xf32, #tpu.memory_space<hbm>>
        tpu.enqueue_indirect_dma source(%dma_start3A_546 : memref<1000000x32xf32, #tpu.memory_space<hbm>>) target(%dma_start3A_540 : memref<50x32xf32, #tpu.memory_space<vmem>>) offsets(%dma_start3A_543 : memref<50xi32, #tpu.memory_space<vmem>>) semaphore(%arg7 : memref<!tpu.dma_semaphore, #tpu.memory_space<semaphore_mem>>)
        %mul3A_547 = arith.constant 16 : i32
        %mul3A_548 = arith.muli %add3A_399, %mul3A_547 : i32
        %add3A_549 = arith.constant 7 : i32
        %add3A_550 = arith.addi %mul3A_548, %add3A_549 : i32
        %dma_start3A_551 = arith.constant 0 : i32
        %dma_start3A_552 = arith.constant 7 : i32
        %dma_start3A_553 = arith.constant 0 : i32
        %dma_start3A_554 = arith.constant 0 : i32
        %dma_start3A_555 = arith.constant 0 : i32
        %dma_start3A_556 = tpu.memref_slice %arg6[%dma_start3A_551, %dma_start3A_553, %dma_start3A_554, %dma_start3A_555] : memref<2x16x50x32xf32, #tpu.memory_space<vmem>> -> memref<1x16x50x32xf32, #tpu.memory_space<vmem>>
        %dma_start3A_557 = tpu.memref_squeeze %dma_start3A_556 : memref<1x16x50x32xf32, #tpu.memory_space<vmem>> -> memref<16x50x32xf32, #tpu.memory_space<vmem>>
        %dma_start3A_558 = arith.constant 0 : i32
        %dma_start3A_559 = arith.constant 0 : i32
        %dma_start3A_560 = tpu.memref_slice %dma_start3A_557[%dma_start3A_552, %dma_start3A_558, %dma_start3A_559] : memref<16x50x32xf32, #tpu.memory_space<vmem>> -> memref<1x50x32xf32, #tpu.memory_space<vmem>>
        %dma_start3A_561 = tpu.memref_squeeze %dma_start3A_560 : memref<1x50x32xf32, #tpu.memory_space<vmem>> -> memref<50x32xf32, #tpu.memory_space<vmem>>
        %dma_start3A_562 = arith.constant 0 : i32
        %dma_start3A_563 = tpu.memref_slice %arg5[%add3A_550, %dma_start3A_562] : memref<512x50xi32, #tpu.memory_space<vmem>> -> memref<1x50xi32, #tpu.memory_space<vmem>>
        %dma_start3A_564 = tpu.memref_squeeze %dma_start3A_563 : memref<1x50xi32, #tpu.memory_space<vmem>> -> memref<50xi32, #tpu.memory_space<vmem>>
        %dma_start3A_565 = arith.constant 0 : i32
        %dma_start3A_566 = arith.constant 0 : i32
        %dma_start3A_567 = tpu.memref_slice %arg3[%dma_start3A_565, %dma_start3A_566] : memref<1000000x32xf32, #tpu.memory_space<hbm>> -> memref<1000000x32xf32, #tpu.memory_space<hbm>>
        tpu.enqueue_indirect_dma source(%dma_start3A_567 : memref<1000000x32xf32, #tpu.memory_space<hbm>>) target(%dma_start3A_561 : memref<50x32xf32, #tpu.memory_space<vmem>>) offsets(%dma_start3A_564 : memref<50xi32, #tpu.memory_space<vmem>>) semaphore(%arg7 : memref<!tpu.dma_semaphore, #tpu.memory_space<semaphore_mem>>)
        %mul3A_568 = arith.constant 16 : i32
        %mul3A_569 = arith.muli %add3A_399, %mul3A_568 : i32
        %add3A_570 = arith.constant 8 : i32
        %add3A_571 = arith.addi %mul3A_569, %add3A_570 : i32
        %dma_start3A_572 = arith.constant 0 : i32
        %dma_start3A_573 = arith.constant 8 : i32
        %dma_start3A_574 = arith.constant 0 : i32
        %dma_start3A_575 = arith.constant 0 : i32
        %dma_start3A_576 = arith.constant 0 : i32
        %dma_start3A_577 = tpu.memref_slice %arg6[%dma_start3A_572, %dma_start3A_574, %dma_start3A_575, %dma_start3A_576] : memref<2x16x50x32xf32, #tpu.memory_space<vmem>> -> memref<1x16x50x32xf32, #tpu.memory_space<vmem>>
        %dma_start3A_578 = tpu.memref_squeeze %dma_start3A_577 : memref<1x16x50x32xf32, #tpu.memory_space<vmem>> -> memref<16x50x32xf32, #tpu.memory_space<vmem>>
        %dma_start3A_579 = arith.constant 0 : i32
        %dma_start3A_580 = arith.constant 0 : i32
        %dma_start3A_581 = tpu.memref_slice %dma_start3A_578[%dma_start3A_573, %dma_start3A_579, %dma_start3A_580] : memref<16x50x32xf32, #tpu.memory_space<vmem>> -> memref<1x50x32xf32, #tpu.memory_space<vmem>>
        %dma_start3A_582 = tpu.memref_squeeze %dma_start3A_581 : memref<1x50x32xf32, #tpu.memory_space<vmem>> -> memref<50x32xf32, #tpu.memory_space<vmem>>
        %dma_start3A_583 = arith.constant 0 : i32
        %dma_start3A_584 = tpu.memref_slice %arg5[%add3A_571, %dma_start3A_583] : memref<512x50xi32, #tpu.memory_space<vmem>> -> memref<1x50xi32, #tpu.memory_space<vmem>>
        %dma_start3A_585 = tpu.memref_squeeze %dma_start3A_584 : memref<1x50xi32, #tpu.memory_space<vmem>> -> memref<50xi32, #tpu.memory_space<vmem>>
        %dma_start3A_586 = arith.constant 0 : i32
        %dma_start3A_587 = arith.constant 0 : i32
        %dma_start3A_588 = tpu.memref_slice %arg3[%dma_start3A_586, %dma_start3A_587] : memref<1000000x32xf32, #tpu.memory_space<hbm>> -> memref<1000000x32xf32, #tpu.memory_space<hbm>>
        tpu.enqueue_indirect_dma source(%dma_start3A_588 : memref<1000000x32xf32, #tpu.memory_space<hbm>>) target(%dma_start3A_582 : memref<50x32xf32, #tpu.memory_space<vmem>>) offsets(%dma_start3A_585 : memref<50xi32, #tpu.memory_space<vmem>>) semaphore(%arg7 : memref<!tpu.dma_semaphore, #tpu.memory_space<semaphore_mem>>)
        %mul3A_589 = arith.constant 16 : i32
        %mul3A_590 = arith.muli %add3A_399, %mul3A_589 : i32
        %add3A_591 = arith.constant 9 : i32
        %add3A_592 = arith.addi %mul3A_590, %add3A_591 : i32
        %dma_start3A_593 = arith.constant 0 : i32
        %dma_start3A_594 = arith.constant 9 : i32
        %dma_start3A_595 = arith.constant 0 : i32
        %dma_start3A_596 = arith.constant 0 : i32
        %dma_start3A_597 = arith.constant 0 : i32
        %dma_start3A_598 = tpu.memref_slice %arg6[%dma_start3A_593, %dma_start3A_595, %dma_start3A_596, %dma_start3A_597] : memref<2x16x50x32xf32, #tpu.memory_space<vmem>> -> memref<1x16x50x32xf32, #tpu.memory_space<vmem>>
        %dma_start3A_599 = tpu.memref_squeeze %dma_start3A_598 : memref<1x16x50x32xf32, #tpu.memory_space<vmem>> -> memref<16x50x32xf32, #tpu.memory_space<vmem>>
        %dma_start3A_600 = arith.constant 0 : i32
        %dma_start3A_601 = arith.constant 0 : i32
        %dma_start3A_602 = tpu.memref_slice %dma_start3A_599[%dma_start3A_594, %dma_start3A_600, %dma_start3A_601] : memref<16x50x32xf32, #tpu.memory_space<vmem>> -> memref<1x50x32xf32, #tpu.memory_space<vmem>>
        %dma_start3A_603 = tpu.memref_squeeze %dma_start3A_602 : memref<1x50x32xf32, #tpu.memory_space<vmem>> -> memref<50x32xf32, #tpu.memory_space<vmem>>
        %dma_start3A_604 = arith.constant 0 : i32
        %dma_start3A_605 = tpu.memref_slice %arg5[%add3A_592, %dma_start3A_604] : memref<512x50xi32, #tpu.memory_space<vmem>> -> memref<1x50xi32, #tpu.memory_space<vmem>>
        %dma_start3A_606 = tpu.memref_squeeze %dma_start3A_605 : memref<1x50xi32, #tpu.memory_space<vmem>> -> memref<50xi32, #tpu.memory_space<vmem>>
        %dma_start3A_607 = arith.constant 0 : i32
        %dma_start3A_608 = arith.constant 0 : i32
        %dma_start3A_609 = tpu.memref_slice %arg3[%dma_start3A_607, %dma_start3A_608] : memref<1000000x32xf32, #tpu.memory_space<hbm>> -> memref<1000000x32xf32, #tpu.memory_space<hbm>>
        tpu.enqueue_indirect_dma source(%dma_start3A_609 : memref<1000000x32xf32, #tpu.memory_space<hbm>>) target(%dma_start3A_603 : memref<50x32xf32, #tpu.memory_space<vmem>>) offsets(%dma_start3A_606 : memref<50xi32, #tpu.memory_space<vmem>>) semaphore(%arg7 : memref<!tpu.dma_semaphore, #tpu.memory_space<semaphore_mem>>)
        %mul3A_610 = arith.constant 16 : i32
        %mul3A_611 = arith.muli %add3A_399, %mul3A_610 : i32
        %add3A_612 = arith.constant 10 : i32
        %add3A_613 = arith.addi %mul3A_611, %add3A_612 : i32
        %dma_start3A_614 = arith.constant 0 : i32
        %dma_start3A_615 = arith.constant 10 : i32
        %dma_start3A_616 = arith.constant 0 : i32
        %dma_start3A_617 = arith.constant 0 : i32
        %dma_start3A_618 = arith.constant 0 : i32
        %dma_start3A_619 = tpu.memref_slice %arg6[%dma_start3A_614, %dma_start3A_616, %dma_start3A_617, %dma_start3A_618] : memref<2x16x50x32xf32, #tpu.memory_space<vmem>> -> memref<1x16x50x32xf32, #tpu.memory_space<vmem>>
        %dma_start3A_620 = tpu.memref_squeeze %dma_start3A_619 : memref<1x16x50x32xf32, #tpu.memory_space<vmem>> -> memref<16x50x32xf32, #tpu.memory_space<vmem>>
        %dma_start3A_621 = arith.constant 0 : i32
        %dma_start3A_622 = arith.constant 0 : i32
        %dma_start3A_623 = tpu.memref_slice %dma_start3A_620[%dma_start3A_615, %dma_start3A_621, %dma_start3A_622] : memref<16x50x32xf32, #tpu.memory_space<vmem>> -> memref<1x50x32xf32, #tpu.memory_space<vmem>>
        %dma_start3A_624 = tpu.memref_squeeze %dma_start3A_623 : memref<1x50x32xf32, #tpu.memory_space<vmem>> -> memref<50x32xf32, #tpu.memory_space<vmem>>
        %dma_start3A_625 = arith.constant 0 : i32
        %dma_start3A_626 = tpu.memref_slice %arg5[%add3A_613, %dma_start3A_625] : memref<512x50xi32, #tpu.memory_space<vmem>> -> memref<1x50xi32, #tpu.memory_space<vmem>>
        %dma_start3A_627 = tpu.memref_squeeze %dma_start3A_626 : memref<1x50xi32, #tpu.memory_space<vmem>> -> memref<50xi32, #tpu.memory_space<vmem>>
        %dma_start3A_628 = arith.constant 0 : i32
        %dma_start3A_629 = arith.constant 0 : i32
        %dma_start3A_630 = tpu.memref_slice %arg3[%dma_start3A_628, %dma_start3A_629] : memref<1000000x32xf32, #tpu.memory_space<hbm>> -> memref<1000000x32xf32, #tpu.memory_space<hbm>>
        tpu.enqueue_indirect_dma source(%dma_start3A_630 : memref<1000000x32xf32, #tpu.memory_space<hbm>>) target(%dma_start3A_624 : memref<50x32xf32, #tpu.memory_space<vmem>>) offsets(%dma_start3A_627 : memref<50xi32, #tpu.memory_space<vmem>>) semaphore(%arg7 : memref<!tpu.dma_semaphore, #tpu.memory_space<semaphore_mem>>)
        %mul3A_631 = arith.constant 16 : i32
        %mul3A_632 = arith.muli %add3A_399, %mul3A_631 : i32
        %add3A_633 = arith.constant 11 : i32
        %add3A_634 = arith.addi %mul3A_632, %add3A_633 : i32
        %dma_start3A_635 = arith.constant 0 : i32
        %dma_start3A_636 = arith.constant 11 : i32
        %dma_start3A_637 = arith.constant 0 : i32
        %dma_start3A_638 = arith.constant 0 : i32
        %dma_start3A_639 = arith.constant 0 : i32
        %dma_start3A_640 = tpu.memref_slice %arg6[%dma_start3A_635, %dma_start3A_637, %dma_start3A_638, %dma_start3A_639] : memref<2x16x50x32xf32, #tpu.memory_space<vmem>> -> memref<1x16x50x32xf32, #tpu.memory_space<vmem>>
        %dma_start3A_641 = tpu.memref_squeeze %dma_start3A_640 : memref<1x16x50x32xf32, #tpu.memory_space<vmem>> -> memref<16x50x32xf32, #tpu.memory_space<vmem>>
        %dma_start3A_642 = arith.constant 0 : i32
        %dma_start3A_643 = arith.constant 0 : i32
        %dma_start3A_644 = tpu.memref_slice %dma_start3A_641[%dma_start3A_636, %dma_start3A_642, %dma_start3A_643] : memref<16x50x32xf32, #tpu.memory_space<vmem>> -> memref<1x50x32xf32, #tpu.memory_space<vmem>>
        %dma_start3A_645 = tpu.memref_squeeze %dma_start3A_644 : memref<1x50x32xf32, #tpu.memory_space<vmem>> -> memref<50x32xf32, #tpu.memory_space<vmem>>
        %dma_start3A_646 = arith.constant 0 : i32
        %dma_start3A_647 = tpu.memref_slice %arg5[%add3A_634, %dma_start3A_646] : memref<512x50xi32, #tpu.memory_space<vmem>> -> memref<1x50xi32, #tpu.memory_space<vmem>>
        %dma_start3A_648 = tpu.memref_squeeze %dma_start3A_647 : memref<1x50xi32, #tpu.memory_space<vmem>> -> memref<50xi32, #tpu.memory_space<vmem>>
        %dma_start3A_649 = arith.constant 0 : i32
        %dma_start3A_650 = arith.constant 0 : i32
        %dma_start3A_651 = tpu.memref_slice %arg3[%dma_start3A_649, %dma_start3A_650] : memref<1000000x32xf32, #tpu.memory_space<hbm>> -> memref<1000000x32xf32, #tpu.memory_space<hbm>>
        tpu.enqueue_indirect_dma source(%dma_start3A_651 : memref<1000000x32xf32, #tpu.memory_space<hbm>>) target(%dma_start3A_645 : memref<50x32xf32, #tpu.memory_space<vmem>>) offsets(%dma_start3A_648 : memref<50xi32, #tpu.memory_space<vmem>>) semaphore(%arg7 : memref<!tpu.dma_semaphore, #tpu.memory_space<semaphore_mem>>)
        %mul3A_652 = arith.constant 16 : i32
        %mul3A_653 = arith.muli %add3A_399, %mul3A_652 : i32
        %add3A_654 = arith.constant 12 : i32
        %add3A_655 = arith.addi %mul3A_653, %add3A_654 : i32
        %dma_start3A_656 = arith.constant 0 : i32
        %dma_start3A_657 = arith.constant 12 : i32
        %dma_start3A_658 = arith.constant 0 : i32
        %dma_start3A_659 = arith.constant 0 : i32
        %dma_start3A_660 = arith.constant 0 : i32
        %dma_start3A_661 = tpu.memref_slice %arg6[%dma_start3A_656, %dma_start3A_658, %dma_start3A_659, %dma_start3A_660] : memref<2x16x50x32xf32, #tpu.memory_space<vmem>> -> memref<1x16x50x32xf32, #tpu.memory_space<vmem>>
        %dma_start3A_662 = tpu.memref_squeeze %dma_start3A_661 : memref<1x16x50x32xf32, #tpu.memory_space<vmem>> -> memref<16x50x32xf32, #tpu.memory_space<vmem>>
        %dma_start3A_663 = arith.constant 0 : i32
        %dma_start3A_664 = arith.constant 0 : i32
        %dma_start3A_665 = tpu.memref_slice %dma_start3A_662[%dma_start3A_657, %dma_start3A_663, %dma_start3A_664] : memref<16x50x32xf32, #tpu.memory_space<vmem>> -> memref<1x50x32xf32, #tpu.memory_space<vmem>>
        %dma_start3A_666 = tpu.memref_squeeze %dma_start3A_665 : memref<1x50x32xf32, #tpu.memory_space<vmem>> -> memref<50x32xf32, #tpu.memory_space<vmem>>
        %dma_start3A_667 = arith.constant 0 : i32
        %dma_start3A_668 = tpu.memref_slice %arg5[%add3A_655, %dma_start3A_667] : memref<512x50xi32, #tpu.memory_space<vmem>> -> memref<1x50xi32, #tpu.memory_space<vmem>>
        %dma_start3A_669 = tpu.memref_squeeze %dma_start3A_668 : memref<1x50xi32, #tpu.memory_space<vmem>> -> memref<50xi32, #tpu.memory_space<vmem>>
        %dma_start3A_670 = arith.constant 0 : i32
        %dma_start3A_671 = arith.constant 0 : i32
        %dma_start3A_672 = tpu.memref_slice %arg3[%dma_start3A_670, %dma_start3A_671] : memref<1000000x32xf32, #tpu.memory_space<hbm>> -> memref<1000000x32xf32, #tpu.memory_space<hbm>>
        tpu.enqueue_indirect_dma source(%dma_start3A_672 : memref<1000000x32xf32, #tpu.memory_space<hbm>>) target(%dma_start3A_666 : memref<50x32xf32, #tpu.memory_space<vmem>>) offsets(%dma_start3A_669 : memref<50xi32, #tpu.memory_space<vmem>>) semaphore(%arg7 : memref<!tpu.dma_semaphore, #tpu.memory_space<semaphore_mem>>)
        %mul3A_673 = arith.constant 16 : i32
        %mul3A_674 = arith.muli %add3A_399, %mul3A_673 : i32
        %add3A_675 = arith.constant 13 : i32
        %add3A_676 = arith.addi %mul3A_674, %add3A_675 : i32
        %dma_start3A_677 = arith.constant 0 : i32
        %dma_start3A_678 = arith.constant 13 : i32
        %dma_start3A_679 = arith.constant 0 : i32
        %dma_start3A_680 = arith.constant 0 : i32
        %dma_start3A_681 = arith.constant 0 : i32
        %dma_start3A_682 = tpu.memref_slice %arg6[%dma_start3A_677, %dma_start3A_679, %dma_start3A_680, %dma_start3A_681] : memref<2x16x50x32xf32, #tpu.memory_space<vmem>> -> memref<1x16x50x32xf32, #tpu.memory_space<vmem>>
        %dma_start3A_683 = tpu.memref_squeeze %dma_start3A_682 : memref<1x16x50x32xf32, #tpu.memory_space<vmem>> -> memref<16x50x32xf32, #tpu.memory_space<vmem>>
        %dma_start3A_684 = arith.constant 0 : i32
        %dma_start3A_685 = arith.constant 0 : i32
        %dma_start3A_686 = tpu.memref_slice %dma_start3A_683[%dma_start3A_678, %dma_start3A_684, %dma_start3A_685] : memref<16x50x32xf32, #tpu.memory_space<vmem>> -> memref<1x50x32xf32, #tpu.memory_space<vmem>>
        %dma_start3A_687 = tpu.memref_squeeze %dma_start3A_686 : memref<1x50x32xf32, #tpu.memory_space<vmem>> -> memref<50x32xf32, #tpu.memory_space<vmem>>
        %dma_start3A_688 = arith.constant 0 : i32
        %dma_start3A_689 = tpu.memref_slice %arg5[%add3A_676, %dma_start3A_688] : memref<512x50xi32, #tpu.memory_space<vmem>> -> memref<1x50xi32, #tpu.memory_space<vmem>>
        %dma_start3A_690 = tpu.memref_squeeze %dma_start3A_689 : memref<1x50xi32, #tpu.memory_space<vmem>> -> memref<50xi32, #tpu.memory_space<vmem>>
        %dma_start3A_691 = arith.constant 0 : i32
        %dma_start3A_692 = arith.constant 0 : i32
        %dma_start3A_693 = tpu.memref_slice %arg3[%dma_start3A_691, %dma_start3A_692] : memref<1000000x32xf32, #tpu.memory_space<hbm>> -> memref<1000000x32xf32, #tpu.memory_space<hbm>>
        tpu.enqueue_indirect_dma source(%dma_start3A_693 : memref<1000000x32xf32, #tpu.memory_space<hbm>>) target(%dma_start3A_687 : memref<50x32xf32, #tpu.memory_space<vmem>>) offsets(%dma_start3A_690 : memref<50xi32, #tpu.memory_space<vmem>>) semaphore(%arg7 : memref<!tpu.dma_semaphore, #tpu.memory_space<semaphore_mem>>)
        %mul3A_694 = arith.constant 16 : i32
        %mul3A_695 = arith.muli %add3A_399, %mul3A_694 : i32
        %add3A_696 = arith.constant 14 : i32
        %add3A_697 = arith.addi %mul3A_695, %add3A_696 : i32
        %dma_start3A_698 = arith.constant 0 : i32
        %dma_start3A_699 = arith.constant 14 : i32
        %dma_start3A_700 = arith.constant 0 : i32
        %dma_start3A_701 = arith.constant 0 : i32
        %dma_start3A_702 = arith.constant 0 : i32
        %dma_start3A_703 = tpu.memref_slice %arg6[%dma_start3A_698, %dma_start3A_700, %dma_start3A_701, %dma_start3A_702] : memref<2x16x50x32xf32, #tpu.memory_space<vmem>> -> memref<1x16x50x32xf32, #tpu.memory_space<vmem>>
        %dma_start3A_704 = tpu.memref_squeeze %dma_start3A_703 : memref<1x16x50x32xf32, #tpu.memory_space<vmem>> -> memref<16x50x32xf32, #tpu.memory_space<vmem>>
        %dma_start3A_705 = arith.constant 0 : i32
        %dma_start3A_706 = arith.constant 0 : i32
        %dma_start3A_707 = tpu.memref_slice %dma_start3A_704[%dma_start3A_699, %dma_start3A_705, %dma_start3A_706] : memref<16x50x32xf32, #tpu.memory_space<vmem>> -> memref<1x50x32xf32, #tpu.memory_space<vmem>>
        %dma_start3A_708 = tpu.memref_squeeze %dma_start3A_707 : memref<1x50x32xf32, #tpu.memory_space<vmem>> -> memref<50x32xf32, #tpu.memory_space<vmem>>
        %dma_start3A_709 = arith.constant 0 : i32
        %dma_start3A_710 = tpu.memref_slice %arg5[%add3A_697, %dma_start3A_709] : memref<512x50xi32, #tpu.memory_space<vmem>> -> memref<1x50xi32, #tpu.memory_space<vmem>>
        %dma_start3A_711 = tpu.memref_squeeze %dma_start3A_710 : memref<1x50xi32, #tpu.memory_space<vmem>> -> memref<50xi32, #tpu.memory_space<vmem>>
        %dma_start3A_712 = arith.constant 0 : i32
        %dma_start3A_713 = arith.constant 0 : i32
        %dma_start3A_714 = tpu.memref_slice %arg3[%dma_start3A_712, %dma_start3A_713] : memref<1000000x32xf32, #tpu.memory_space<hbm>> -> memref<1000000x32xf32, #tpu.memory_space<hbm>>
        tpu.enqueue_indirect_dma source(%dma_start3A_714 : memref<1000000x32xf32, #tpu.memory_space<hbm>>) target(%dma_start3A_708 : memref<50x32xf32, #tpu.memory_space<vmem>>) offsets(%dma_start3A_711 : memref<50xi32, #tpu.memory_space<vmem>>) semaphore(%arg7 : memref<!tpu.dma_semaphore, #tpu.memory_space<semaphore_mem>>)
        %mul3A_715 = arith.constant 16 : i32
        %mul3A_716 = arith.muli %add3A_399, %mul3A_715 : i32
        %add3A_717 = arith.constant 15 : i32
        %add3A_718 = arith.addi %mul3A_716, %add3A_717 : i32
        %dma_start3A_719 = arith.constant 0 : i32
        %dma_start3A_720 = arith.constant 15 : i32
        %dma_start3A_721 = arith.constant 0 : i32
        %dma_start3A_722 = arith.constant 0 : i32
        %dma_start3A_723 = arith.constant 0 : i32
        %dma_start3A_724 = tpu.memref_slice %arg6[%dma_start3A_719, %dma_start3A_721, %dma_start3A_722, %dma_start3A_723] : memref<2x16x50x32xf32, #tpu.memory_space<vmem>> -> memref<1x16x50x32xf32, #tpu.memory_space<vmem>>
        %dma_start3A_725 = tpu.memref_squeeze %dma_start3A_724 : memref<1x16x50x32xf32, #tpu.memory_space<vmem>> -> memref<16x50x32xf32, #tpu.memory_space<vmem>>
        %dma_start3A_726 = arith.constant 0 : i32
        %dma_start3A_727 = arith.constant 0 : i32
        %dma_start3A_728 = tpu.memref_slice %dma_start3A_725[%dma_start3A_720, %dma_start3A_726, %dma_start3A_727] : memref<16x50x32xf32, #tpu.memory_space<vmem>> -> memref<1x50x32xf32, #tpu.memory_space<vmem>>
        %dma_start3A_729 = tpu.memref_squeeze %dma_start3A_728 : memref<1x50x32xf32, #tpu.memory_space<vmem>> -> memref<50x32xf32, #tpu.memory_space<vmem>>
        %dma_start3A_730 = arith.constant 0 : i32
        %dma_start3A_731 = tpu.memref_slice %arg5[%add3A_718, %dma_start3A_730] : memref<512x50xi32, #tpu.memory_space<vmem>> -> memref<1x50xi32, #tpu.memory_space<vmem>>
        %dma_start3A_732 = tpu.memref_squeeze %dma_start3A_731 : memref<1x50xi32, #tpu.memory_space<vmem>> -> memref<50xi32, #tpu.memory_space<vmem>>
        %dma_start3A_733 = arith.constant 0 : i32
        %dma_start3A_734 = arith.constant 0 : i32
        %dma_start3A_735 = tpu.memref_slice %arg3[%dma_start3A_733, %dma_start3A_734] : memref<1000000x32xf32, #tpu.memory_space<hbm>> -> memref<1000000x32xf32, #tpu.memory_space<hbm>>
        tpu.enqueue_indirect_dma source(%dma_start3A_735 : memref<1000000x32xf32, #tpu.memory_space<hbm>>) target(%dma_start3A_729 : memref<50x32xf32, #tpu.memory_space<vmem>>) offsets(%dma_start3A_732 : memref<50xi32, #tpu.memory_space<vmem>>) semaphore(%arg7 : memref<!tpu.dma_semaphore, #tpu.memory_space<semaphore_mem>>)
        %dma_wait3A_736 = arith.constant 1 : i32
        %dma_wait3A_737 = arith.constant 0 : i32
        %dma_wait3A_738 = arith.constant 0 : i32
        %dma_wait3A_739 = arith.constant 0 : i32
        %dma_wait3A_740 = tpu.memref_slice %arg6[%dma_wait3A_736, %dma_wait3A_737, %dma_wait3A_738, %dma_wait3A_739] : memref<2x16x50x32xf32, #tpu.memory_space<vmem>> -> memref<1x16x50x32xf32, #tpu.memory_space<vmem>>
        %dma_wait3A_741 = tpu.memref_squeeze %dma_wait3A_740 : memref<1x16x50x32xf32, #tpu.memory_space<vmem>> -> memref<16x50x32xf32, #tpu.memory_space<vmem>>
        %dma_wait3A_742 = arith.constant 0 : i32
        %dma_wait3A_743 = arith.constant 0 : i32
        %dma_wait3A_744 = arith.constant 0 : i32
        %dma_wait3A_745 = tpu.memref_slice %arg4[%dma_wait3A_742, %dma_wait3A_743, %dma_wait3A_744] : memref<16384x50x32xf32, #tpu.memory_space<hbm>> -> memref<16x50x32xf32, #tpu.memory_space<hbm>>
        %dma_wait3A_746 = arith.constant 0 : i32
        %dma_wait3A_747 = arith.constant 0 : i32
        %dma_wait3A_748 = arith.constant 0 : i32
        %dma_wait3A_749 = tpu.memref_slice %arg6[%dma_wait3A_736, %dma_wait3A_746, %dma_wait3A_747, %dma_wait3A_748] : memref<2x16x50x32xf32, #tpu.memory_space<vmem>> -> memref<1x16x50x32xf32, #tpu.memory_space<vmem>>
        %dma_wait3A_750 = tpu.memref_squeeze %dma_wait3A_749 : memref<1x16x50x32xf32, #tpu.memory_space<vmem>> -> memref<16x50x32xf32, #tpu.memory_space<vmem>>
        %dma_wait3A_751 = arith.constant 0 : i32
        %dma_wait3A_752 = arith.constant 0 : i32
        %dma_wait3A_753 = arith.constant 0 : i32
        %dma_wait3A_754 = tpu.memref_slice %arg4[%dma_wait3A_751, %dma_wait3A_752, %dma_wait3A_753] : memref<16384x50x32xf32, #tpu.memory_space<hbm>> -> memref<16x50x32xf32, #tpu.memory_space<hbm>>
        tpu.wait_dma2 semaphore(%arg8 : memref<!tpu.dma_semaphore, #tpu.memory_space<semaphore_mem>>) src(%dma_wait3A_754 : memref<16x50x32xf32, #tpu.memory_space<hbm>>) dst(%dma_wait3A_750 : memref<16x50x32xf32, #tpu.memory_space<vmem>>)
        %mul3A_755 = arith.constant 16 : i32
        %mul3A_756 = arith.muli %scan3A_370, %mul3A_755 : i32
        %add3A_757 = arith.addi %mul3A_2, %mul3A_756 : i32
        %dma_start3A_758 = arith.constant 1 : i32
        %dma_start3A_759 = arith.constant 0 : i32
        %dma_start3A_760 = arith.constant 0 : i32
        %dma_start3A_761 = arith.constant 0 : i32
        %dma_start3A_762 = tpu.memref_slice %arg6[%dma_start3A_758, %dma_start3A_759, %dma_start3A_760, %dma_start3A_761] : memref<2x16x50x32xf32, #tpu.memory_space<vmem>> -> memref<1x16x50x32xf32, #tpu.memory_space<vmem>>
        %dma_start3A_763 = tpu.memref_squeeze %dma_start3A_762 : memref<1x16x50x32xf32, #tpu.memory_space<vmem>> -> memref<16x50x32xf32, #tpu.memory_space<vmem>>
        %dma_start3A_764 = arith.constant 0 : i32
        %dma_start3A_765 = arith.constant 0 : i32
        %dma_start3A_766 = tpu.memref_slice %arg4[%add3A_757, %dma_start3A_764, %dma_start3A_765] : memref<16384x50x32xf32, #tpu.memory_space<hbm>> -> memref<16x50x32xf32, #tpu.memory_space<hbm>>
        %dma_start3A_767 = arith.constant 0 : i32
        %dma_start3A_768 = arith.constant 0 : i32
        %dma_start3A_769 = tpu.memref_slice %arg4[%add3A_757, %dma_start3A_767, %dma_start3A_768] : memref<16384x50x32xf32, #tpu.memory_space<hbm>> -> memref<16x50x32xf32, #tpu.memory_space<hbm>>
        %dma_start3A_770 = arith.constant 0 : i32
        %dma_start3A_771 = arith.constant 0 : i32
        %dma_start3A_772 = arith.constant 0 : i32
        %dma_start3A_773 = tpu.memref_slice %arg6[%dma_start3A_758, %dma_start3A_770, %dma_start3A_771, %dma_start3A_772] : memref<2x16x50x32xf32, #tpu.memory_space<vmem>> -> memref<1x16x50x32xf32, #tpu.memory_space<vmem>>
        %dma_start3A_774 = tpu.memref_squeeze %dma_start3A_773 : memref<1x16x50x32xf32, #tpu.memory_space<vmem>> -> memref<16x50x32xf32, #tpu.memory_space<vmem>>
        tpu.enqueue_dma source(%dma_start3A_774 : memref<16x50x32xf32, #tpu.memory_space<vmem>>) target(%dma_start3A_769 : memref<16x50x32xf32, #tpu.memory_space<hbm>>) target_semaphore(%arg10 : memref<!tpu.dma_semaphore, #tpu.memory_space<semaphore_mem>>)
      } else {
      }
    }
    %scan3A_294 = arith.constant 31 : i32
    %dma_wait3A = arith.constant 1 : i32
    %dma_wait3A_295 = arith.constant 0 : i32
    %dma_wait3A_296 = arith.constant 0 : i32
    %dma_wait3A_297 = arith.constant 0 : i32
    %dma_wait3A_298 = tpu.memref_slice %arg6[%dma_wait3A, %dma_wait3A_295, %dma_wait3A_296, %dma_wait3A_297] : memref<2x16x50x32xf32, #tpu.memory_space<vmem>> -> memref<1x16x50x32xf32, #tpu.memory_space<vmem>>
    %dma_wait3A_299 = tpu.memref_squeeze %dma_wait3A_298 : memref<1x16x50x32xf32, #tpu.memory_space<vmem>> -> memref<16x50x32xf32, #tpu.memory_space<vmem>>
    %dma_wait3A_300 = arith.constant 0 : i32
    %dma_wait3A_301 = arith.constant 0 : i32
    %dma_wait3A_302 = arith.constant 0 : i32
    %dma_wait3A_303 = tpu.memref_slice %arg4[%dma_wait3A_300, %dma_wait3A_301, %dma_wait3A_302] : memref<16384x50x32xf32, #tpu.memory_space<hbm>> -> memref<16x50x32xf32, #tpu.memory_space<hbm>>
    %dma_wait3A_304 = arith.constant 0 : i32
    %dma_wait3A_305 = arith.constant 0 : i32
    %dma_wait3A_306 = arith.constant 0 : i32
    %dma_wait3A_307 = tpu.memref_slice %arg6[%dma_wait3A, %dma_wait3A_304, %dma_wait3A_305, %dma_wait3A_306] : memref<2x16x50x32xf32, #tpu.memory_space<vmem>> -> memref<1x16x50x32xf32, #tpu.memory_space<vmem>>
    %dma_wait3A_308 = tpu.memref_squeeze %dma_wait3A_307 : memref<1x16x50x32xf32, #tpu.memory_space<vmem>> -> memref<16x50x32xf32, #tpu.memory_space<vmem>>
    %dma_wait3A_309 = arith.constant 0 : i32
    %dma_wait3A_310 = arith.constant 0 : i32
    %dma_wait3A_311 = arith.constant 0 : i32
    %dma_wait3A_312 = tpu.memref_slice %arg4[%dma_wait3A_309, %dma_wait3A_310, %dma_wait3A_311] : memref<16384x50x32xf32, #tpu.memory_space<hbm>> -> memref<16x50x32xf32, #tpu.memory_space<hbm>>
    tpu.wait_dma2 semaphore(%arg8 : memref<!tpu.dma_semaphore, #tpu.memory_space<semaphore_mem>>) src(%dma_wait3A_312 : memref<16x50x32xf32, #tpu.memory_space<hbm>>) dst(%dma_wait3A_308 : memref<16x50x32xf32, #tpu.memory_space<vmem>>)
    %dma_wait3A_313 = arith.constant 0 : i32
    %dma_wait3A_314 = arith.constant 0 : i32
    %dma_wait3A_315 = arith.constant 0 : i32
    %dma_wait3A_316 = arith.constant 0 : i32
    %dma_wait3A_317 = tpu.memref_slice %arg6[%dma_wait3A_313, %dma_wait3A_314, %dma_wait3A_315, %dma_wait3A_316] : memref<2x16x50x32xf32, #tpu.memory_space<vmem>> -> memref<1x16x50x32xf32, #tpu.memory_space<vmem>>
    %dma_wait3A_318 = tpu.memref_squeeze %dma_wait3A_317 : memref<1x16x50x32xf32, #tpu.memory_space<vmem>> -> memref<16x50x32xf32, #tpu.memory_space<vmem>>
    %dma_wait3A_319 = arith.constant 0 : i32
    %dma_wait3A_320 = arith.constant 0 : i32
    %dma_wait3A_321 = arith.constant 0 : i32
    %dma_wait3A_322 = tpu.memref_slice %arg4[%dma_wait3A_319, %dma_wait3A_320, %dma_wait3A_321] : memref<16384x50x32xf32, #tpu.memory_space<hbm>> -> memref<16x50x32xf32, #tpu.memory_space<hbm>>
    %dma_wait3A_323 = arith.constant 0 : i32
    %dma_wait3A_324 = arith.constant 0 : i32
    %dma_wait3A_325 = arith.constant 0 : i32
    %dma_wait3A_326 = tpu.memref_slice %arg6[%dma_wait3A_313, %dma_wait3A_323, %dma_wait3A_324, %dma_wait3A_325] : memref<2x16x50x32xf32, #tpu.memory_space<vmem>> -> memref<1x16x50x32xf32, #tpu.memory_space<vmem>>
    %dma_wait3A_327 = tpu.memref_squeeze %dma_wait3A_326 : memref<1x16x50x32xf32, #tpu.memory_space<vmem>> -> memref<16x50x32xf32, #tpu.memory_space<vmem>>
    %dma_wait3A_328 = arith.constant 0 : i32
    %dma_wait3A_329 = arith.constant 0 : i32
    %dma_wait3A_330 = arith.constant 0 : i32
    %dma_wait3A_331 = tpu.memref_slice %arg4[%dma_wait3A_328, %dma_wait3A_329, %dma_wait3A_330] : memref<16384x50x32xf32, #tpu.memory_space<hbm>> -> memref<16x50x32xf32, #tpu.memory_space<hbm>>
    tpu.wait_dma2 semaphore(%arg9 : memref<!tpu.dma_semaphore, #tpu.memory_space<semaphore_mem>>) src(%dma_wait3A_331 : memref<16x50x32xf32, #tpu.memory_space<hbm>>) dst(%dma_wait3A_327 : memref<16x50x32xf32, #tpu.memory_space<vmem>>)
    %add3A_332 = arith.constant 496 : i32
    %add3A_333 = arith.addi %mul3A_2, %add3A_332 : i32
    %dma_start3A_334 = arith.constant 1 : i32
    %dma_start3A_335 = arith.constant 0 : i32
    %dma_start3A_336 = arith.constant 0 : i32
    %dma_start3A_337 = arith.constant 0 : i32
    %dma_start3A_338 = tpu.memref_slice %arg6[%dma_start3A_334, %dma_start3A_335, %dma_start3A_336, %dma_start3A_337] : memref<2x16x50x32xf32, #tpu.memory_space<vmem>> -> memref<1x16x50x32xf32, #tpu.memory_space<vmem>>
    %dma_start3A_339 = tpu.memref_squeeze %dma_start3A_338 : memref<1x16x50x32xf32, #tpu.memory_space<vmem>> -> memref<16x50x32xf32, #tpu.memory_space<vmem>>
    %dma_start3A_340 = arith.constant 0 : i32
    %dma_start3A_341 = arith.constant 0 : i32
    %dma_start3A_342 = tpu.memref_slice %arg4[%add3A_333, %dma_start3A_340, %dma_start3A_341] : memref<16384x50x32xf32, #tpu.memory_space<hbm>> -> memref<16x50x32xf32, #tpu.memory_space<hbm>>
    %dma_start3A_343 = arith.constant 0 : i32
    %dma_start3A_344 = arith.constant 0 : i32
    %dma_start3A_345 = tpu.memref_slice %arg4[%add3A_333, %dma_start3A_343, %dma_start3A_344] : memref<16384x50x32xf32, #tpu.memory_space<hbm>> -> memref<16x50x32xf32, #tpu.memory_space<hbm>>
    %dma_start3A_346 = arith.constant 0 : i32
    %dma_start3A_347 = arith.constant 0 : i32
    %dma_start3A_348 = arith.constant 0 : i32
    %dma_start3A_349 = tpu.memref_slice %arg6[%dma_start3A_334, %dma_start3A_346, %dma_start3A_347, %dma_start3A_348] : memref<2x16x50x32xf32, #tpu.memory_space<vmem>> -> memref<1x16x50x32xf32, #tpu.memory_space<vmem>>
    %dma_start3A_350 = tpu.memref_squeeze %dma_start3A_349 : memref<1x16x50x32xf32, #tpu.memory_space<vmem>> -> memref<16x50x32xf32, #tpu.memory_space<vmem>>
    tpu.enqueue_dma source(%dma_start3A_350 : memref<16x50x32xf32, #tpu.memory_space<vmem>>) target(%dma_start3A_345 : memref<16x50x32xf32, #tpu.memory_space<hbm>>) target_semaphore(%arg10 : memref<!tpu.dma_semaphore, #tpu.memory_space<semaphore_mem>>)
    %dma_wait3A_351 = arith.constant 1 : i32
    %dma_wait3A_352 = arith.constant 0 : i32
    %dma_wait3A_353 = arith.constant 0 : i32
    %dma_wait3A_354 = arith.constant 0 : i32
    %dma_wait3A_355 = tpu.memref_slice %arg6[%dma_wait3A_351, %dma_wait3A_352, %dma_wait3A_353, %dma_wait3A_354] : memref<2x16x50x32xf32, #tpu.memory_space<vmem>> -> memref<1x16x50x32xf32, #tpu.memory_space<vmem>>
    %dma_wait3A_356 = tpu.memref_squeeze %dma_wait3A_355 : memref<1x16x50x32xf32, #tpu.memory_space<vmem>> -> memref<16x50x32xf32, #tpu.memory_space<vmem>>
    %dma_wait3A_357 = arith.constant 0 : i32
    %dma_wait3A_358 = arith.constant 0 : i32
    %dma_wait3A_359 = arith.constant 0 : i32
    %dma_wait3A_360 = tpu.memref_slice %arg4[%dma_wait3A_357, %dma_wait3A_358, %dma_wait3A_359] : memref<16384x50x32xf32, #tpu.memory_space<hbm>> -> memref<16x50x32xf32, #tpu.memory_space<hbm>>
    %dma_wait3A_361 = arith.constant 0 : i32
    %dma_wait3A_362 = arith.constant 0 : i32
    %dma_wait3A_363 = arith.constant 0 : i32
    %dma_wait3A_364 = tpu.memref_slice %arg6[%dma_wait3A_351, %dma_wait3A_361, %dma_wait3A_362, %dma_wait3A_363] : memref<2x16x50x32xf32, #tpu.memory_space<vmem>> -> memref<1x16x50x32xf32, #tpu.memory_space<vmem>>
    %dma_wait3A_365 = tpu.memref_squeeze %dma_wait3A_364 : memref<1x16x50x32xf32, #tpu.memory_space<vmem>> -> memref<16x50x32xf32, #tpu.memory_space<vmem>>
    %dma_wait3A_366 = arith.constant 0 : i32
    %dma_wait3A_367 = arith.constant 0 : i32
    %dma_wait3A_368 = arith.constant 0 : i32
    %dma_wait3A_369 = tpu.memref_slice %arg4[%dma_wait3A_366, %dma_wait3A_367, %dma_wait3A_368] : memref<16384x50x32xf32, #tpu.memory_space<hbm>> -> memref<16x50x32xf32, #tpu.memory_space<hbm>>
    tpu.wait_dma2 semaphore(%arg10 : memref<!tpu.dma_semaphore, #tpu.memory_space<semaphore_mem>>) src(%dma_wait3A_369 : memref<16x50x32xf32, #tpu.memory_space<hbm>>) dst(%dma_wait3A_365 : memref<16x50x32xf32, #tpu.memory_space<vmem>>)
    return
  }
}

</mosaic_0001>

<sc_bundles>
// kernel: kernel.3.cloned.1.call-start
scs
__scs_entry_jumppad:
0x0: {  	(pc) =	sbr.rel $0x88, $3  }
0x1: {  	(tag) =	ssettag $0x0;
	lr =	simm.s32 $0x1  }
0x2: {  	[smem:$0x3F9F] =	sst lr;
	_ =	strace $0xD0000000  }
0x3: {  	_ = 	snop  }
0x4: {  	_ = 	snop  }
0x5: {  	_ = 	snop  }
0x6: {  	_ = 	snop  }
0x7: {  	_ = 	snop  }
__scs_overlays_trampoline_lowered:
0x8: {  	[smem:$0x3FAE] =	sst s0  }
0x9: {  	[smem:$0x3FAF] =	sst s1  }
0xa: {  	[smem:$0x3FB0] =	sst s2  }
0xb: {  	[smem:$0x3FB1] =	sst s3  }
0xc: {  	[smem:$0x3FB2] =	sst s4  }
0xd: {  	[smem:$0x3FB3] =	sst s5  }
0xe: {  	[smem:$0x3FB4] =	sst s6  }
0xf: {  	[smem:$0x3FB5] =	sst s7  }
0x10: {  	[smem:$0x3FB6] =	sst s8  }
0x11: {  	[smem:$0x3FB7] =	sst s9;
	s0 =	simm.s32 @!p0 $0x0  }
0x12: {  	s1 =	sld [smem:$0x3F9D];
	s0 =	simm.s32 @p0 $0x1  }
0x13: {  	[smem:$0x3FB8] =	sst s0;
	s0 =	simm.s32 @!p1 $0x0  }
0x14: {  	s2 =	sld [smem:$0x3F9C];
	s0 =	simm.s32 @p1 $0x1  }
0x15: {  	[smem:$0x3FB9] =	sst s0;
	s0 =	simm.s32 @!p2 $0x0  }
0x16: {  	s3 =	sld [smem:$0x3FDB];
	s0 =	simm.s32 @p2 $0x1  }
0x17: {  	s4 =	simm.s32 $0x1BF5;
	[smem:$0x3FBB] =	sst s0  }
0x18: {  	s0 =	sld [smem:$0x3F9E];
	_ =	swait.ge [sflag:s4], $0x0  }
0x19: {  	s7 =	sld [smem:$0x3F9F]  }
0x1a: {  	s8 =	sadd.s32 $0xFFFFE003, lr  }
0x1b: {  	s9 =	sadd.s32 $0xFFFFFEF7, lr;
	s5 =	simm.s32 $0xFFFFFFFF;
	p2 =	slt.u32 s8, $0xFFFFF086  }
0x1c: {  	p1 =	slt.u32 s9, $0xF7A;
	s5 =	simm.s32 @!p2 $0x0  }
0x1d: {  	s5 =	simm.s32 @p1 $0x1;
	p0 =	seq.s32 s7, s2  }
0x1e: {  	s7 =	smul.u32 @!p0 $0xF7A, s2;
	p2 =	seq.s32 @!p0 s5, $0x0  }
0x1f: {  	s9 =	smul.u32 $0xF7A, s1;
	s8 =	simm.s32 @!p0 $0x1BF5;
	p2 =	por !p2, p0  }
0x20: {  	[sflag:s8] =	ssyncset.s32 @!p0 $0xFFFFF086;
	s6 =	sadd.s32 @!p0 s3, s7;
	s7 =	simm.s32 @!p0 $0x108  }
0x21: {  	s3 =	sadd.s32 s3, s9;
	s6 =	sadd.s32 @!p0 $0x88, s6;
	s7 =	simm.s32 @p2 $0x1082  }
0x22: {  	[simem:s7], [sflag:s8] =	dma.local @!p0 [hbm:s6], $0xF7A  }
0x23: {  	s9 =	sor.u32 $0xD0000000, s2;
	s6 =	simm.s32 $0x108;
	_ =	swait.ge @!p0 [sflag:s8], $0x0  }
0x24: {  	s3 =	sadd.s32 $0x88, s3;
	s6 =	simm.s32 @!p1 $0x1082;
	[sflag:s4] =	ssyncset.s32 $0xFFFFF086  }
0x25: {  	[simem:s6], [sflag:s4] =	dma.local [hbm:s3], $0xF7A  }
0x26: {  	[smem:$0x3F9F] =	sst s1;
	(tag) =	ssettag s2;
	_ =	strace s9  }
0x27: {  	s1 =	sld [smem:$0x3FAF]  }
0x28: {  	s2 =	sld [smem:$0x3FB0]  }
0x29: {  	s4 =	sld [smem:$0x3FB2]  }
0x2a: {  	p0 =	seq.s32 s5, $0x0;
	s5 =	sld [smem:$0x3FB3]  }
0x2b: {  	s6 =	sld [smem:$0x3FB4]  }
0x2c: {  	s7 =	sld [smem:$0x3FB5]  }
0x2d: {  	s3 =	simm.s32 $0x108;
	s8 =	sld [smem:$0x3FB6]  }
0x2e: {  	s3 =	simm.s32 @!p0 $0x1082;
	s9 =	sld [smem:$0x3FB7]  }
0x2f: {  	lr =	sadd.s32 s0, s3;
	s0 =	sld [smem:$0x3FAE]  }
0x30: {  	s3 =	sld [smem:$0x3FB1]  }
0x31: {  	[smem:$0x3FBA] =	sst s10  }
0x32: {  	s10 =	sld [smem:$0x3FB8];
	_ =	sdelay $0x3  }
0x33: {  	p0 =	seq.s32 s10, $0x1;
	s10 =	sld [smem:$0x3FBA];
	_ =	sdelay $0x3  }
0x34: {  	[smem:$0x3FBA] =	sst s10  }
0x35: {  	s10 =	sld [smem:$0x3FB9];
	_ =	sdelay $0x3  }
0x36: {  	p1 =	seq.s32 s10, $0x1;
	s10 =	sld [smem:$0x3FBA];
	_ =	sdelay $0x3  }
0x37: {  	[smem:$0x3FBA] =	sst s10  }
0x38: {  	s10 =	sld [smem:$0x3FBB]  }
0x39: {  	_ = 	snop;
	(pc) =	sbr.ind lr, $3  }
0x3a: {  	_ = 	snop  }
0x3b: {  	_ = 	snop  }
0x3c: {  	p2 =	seq.s32 s10, $0x1;
	s10 =	sld [smem:$0x3FBA]  }
0x3d: {  	_ =	shalt  }
0x3e: {  	_ =	shalt  }
0x3f: {  	_ =	shalt  }
0x40: {  	_ =	shalt  }
0x41: {  	_ =	shalt  }
0x42: {  	_ =	shalt  }
0x43: {  	_ =	shalt  }
0x44: {  	_ =	shalt  }
0x45: {  	_ =	shalt  }
0x46: {  	_ =	shalt  }
0x47: {  	_ =	shalt  }
0x48: {  	_ =	shalt  }
0x49: {  	_ =	shalt  }
0x4a: {  	_ =	shalt  }
0x4b: {  	_ =	shalt  }
0x4c: {  	_ =	shalt  }
0x4d: {  	_ =	shalt  }
0x4e: {  	_ =	shalt  }
0x4f: {  	_ =	shalt  }
0x50: {  	_ =	shalt  }
0x51: {  	_ =	shalt  }
0x52: {  	_ =	shalt  }
0x53: {  	_ =	shalt  }
0x54: {  	_ =	shalt  }
0x55: {  	_ =	shalt  }
0x56: {  	_ =	shalt  }
0x57: {  	_ =	shalt  }
0x58: {  	_ =	shalt  }
0x59: {  	_ =	shalt  }
0x5a: {  	_ =	shalt  }
0x5b: {  	_ =	shalt  }
0x5c: {  	_ =	shalt  }
0x5d: {  	_ =	shalt  }
0x5e: {  	_ =	shalt  }
0x5f: {  	_ =	shalt  }
0x60: {  	_ =	shalt  }
0x61: {  	_ =	shalt  }
0x62: {  	_ =	shalt  }
0x63: {  	_ =	shalt  }
0x64: {  	_ =	shalt  }
0x65: {  	_ =	shalt  }
0x66: {  	_ =	shalt  }
0x67: {  	_ =	shalt  }
0x68: {  	_ =	shalt  }
0x69: {  	_ =	shalt  }
0x6a: {  	_ =	shalt  }
0x6b: {  	_ =	shalt  }
0x6c: {  	_ =	shalt  }
0x6d: {  	_ =	shalt  }
0x6e: {  	_ =	shalt  }
0x6f: {  	_ =	shalt  }
0x70: {  	_ =	shalt  }
0x71: {  	_ =	shalt  }
0x72: {  	_ =	shalt  }
0x73: {  	_ =	shalt  }
0x74: {  	_ =	shalt  }
0x75: {  	_ =	shalt  }
0x76: {  	_ =	shalt  }
0x77: {  	_ =	shalt  }
0x78: {  	_ =	shalt  }
0x79: {  	_ =	shalt  }
0x7a: {  	_ =	shalt  }
0x7b: {  	_ =	shalt  }
0x7c: {  	_ =	shalt  }
0x7d: {  	_ =	shalt  }
0x7e: {  	_ =	shalt  }
0x7f: {  	_ =	shalt  }
0x80: {  	_ =	shalt  }
0x81: {  	_ =	shalt  }
0x82: {  	_ =	shalt  }
0x83: {  	_ =	shalt  }
0x84: {  	_ =	shalt  }
0x85: {  	_ =	shalt  }
0x86: {  	_ =	shalt  }
0x87: {  	_ =	shalt  }
.Lfunc_end0:
.L_simem_size_0:
called_computation.1_lowered:
.L_overlay_start_0:
0x88: {  	s2 =	sld [smem:$0x3FD9]  }
0x89: {  	s3 =	sld [smem:$0x3FFE];
	_ =	sdelay $0x1  }
0x8a: {  	s1 =	srdreg.scid  }
0x8b: {  	s0 =	sand.u32 $0x1, s1  }
0x8c: {  	s17 =	sshll.u32 s0, $0xA;
	s2 =	sadd.s32 s3, s2  }
0x8d: {  	s2 =	sadd.s32 s2, s17  }
0x8e: {  	[smem:$0x3FC6] =	sst s2  }
0x8f: {  	_ = 	snop  }
0x90: {  	s2 =	sld [smem:$0x3FD0];
	(tm) =	ssettm $0x1  }
0x91: {  	s18 =	sld [smem:$0x3FFB];
	_ =	sdelay $0x3  }
0x92: {  	_ =	strace s18  }
0x93: {  	s3 =	sld [smem:$0x3FFC];
	_ =	sdelay $0x3  }
0x94: {  	_ =	strace s3  }
0x95: {  	s3 =	sld [smem:$0x3FFD];
	_ =	sdelay $0x3  }
0x96: {  	_ =	strace s3  }
0x97: {  	_ =	strace $0x8FFFFFFF  }
0x98: {  	s19 =	sld [smem:$0x3FDB];
	_ =	sdelay $0x1  }
0x99: {  	s4 =	simm.s32 $_scs_section_size  }
0x9a: {  	s5 =	simm.s32 $_size__tile_overlayer_lowered;
	s6 =	simm.s32 $_tile_overlayer_lowered  }
0x9b: {  	s22 =	simm.s32 $0x1BFF;
	s21 =	sshll.u32 s6, $0x1;
	s3 =	sadd.s32 s4, s19  }
0x9c: {  	s7 =	simm.s32 $0x0;
	s20 =	sshll.u32 s5, $0x1;
	s5 =	sadd.s32 s21, s3  }
0x9d: {  	[timem:s7], [sflag:s22] =	dma.local [hbm:s5], s20  }
0x9e: {  	_ =	swait.ge [sflag:s22], s20  }
0x9f: {  	s4 =	ssub.s32 $0x0, s20;
	[sflag:s22] =	ssyncset.done $0x0  }
0xa0: {  	[sflag:s22] =	ssyncadd.s32 s4;
	_ =	sdelay $0x1  }
0xa1: {  	s23 =	simm.s32 $0x1B8B  }
0xa2: {  	_ =	swait.ge [sflag:s23], $0x1  }
0xa3: {  	[sflag:s23] =	ssyncset.done $0x0  }
0xa4: {  	s25 =	simm.s32 $0x1B8E;
	s24 =	sld [smem:$0x3FFE];
	[sflag:s23] =	ssyncadd.s32 $0xFFFFFFFF  }
0xa5: {  	s26 =	simm.s32 $execute0_lowered;
	[smem:$0x3FD2] =	sst s25  }
0xa6: {  	s5 =	sshll.u32 s26, $0x1;
	_ =	strace $0x80000046;
	[dreg:$0x1] =	wrdreg $0xFFFFFFFF  }
0xa7: {  	s28 =	simm.s32 $_size_execute0_lowered;
	s3 =	sadd.s32 s3, s5;
	[dreg:$0x0] =	wrdreg $0x0  }
0xa8: {  	s5 =	sshll.u32 s28, $0x1;
	[dreg:$0x2] =	wrdreg s3  }
0xa9: {  	[dreg:$0x3] =	wrdreg s5  }
0xaa: {  	[dreg:$0x4] =	wrdreg $0xC0  }
0xab: {  	_ =	task [dreg:s7], $0x5FFFF  }
0xac: {  	[dreg:$0x1] =	wrdreg $0xFFFFFFFF  }
0xad: {  	[dreg:$0x0] =	wrdreg $0x60  }
0xae: {  	[dreg:$0x2] =	wrdreg s24  }
0xaf: {  	[dreg:$0x3] =	wrdreg s2  }
0xb0: {  	[dreg:$0x4] =	wrdreg $0x9  }
0xb1: {  	_ =	task.clear_ibuf [dreg:s7], $0x5FFFF;
	_ =	strace $0x90000046  }
0xb2: {  	s29 =	simm.s32 $0x9;
	_ =	strace $0x80000048  }
0xb3: {  	_ =	swait.ge [sflag:s29], $0x1  }
0xb4: {  	[sflag:s29] =	ssyncadd.s32 $0xFFFFFFFF  }
0xb5: {  	_ =	strace $0x90000048  }
0xb6: {  	_ =	sfence  }
0xb7: {  	s30 =	sld [smem:$0x0];
	_ =	sdelay $0x2  }
0xb8: {  	s31 =	sshll.u32 s1, $0xD;
	s1 =	sshrl.u32 s1, $0x2  }
0xb9: {  	s3 =	sand.u32 $0x4000, s31;
	s1 =	sadd.s32 s1, s30  }
0xba: {  	s0 =	sor.u32 s3, s0;
	s1 =	sshll.u32 s1, $0x11  }
0xbb: {  	s0 =	sor.u32 s1, s0  }
0xbc: {  	s0 =	sadd.s32 $0x8F2B, s0  }
0xbd: {  	[sflag:s0] =	ssyncadd.remote.s32 $0x1  }
0xbe: {  	_ =	sfence.sel $0xFFFF  }
0xbf: {  	[dreg:$0x0] =	wrdreg $0xFFFFFFFF;
	(pc) =	sbr.abs _section_cstart, $3  }
0xc0: {  	[dreg:$0x1] =	wrdreg $0xFFFFFFFF  }
0xc1: {  	_ =	task.clear_ibuf [dreg:s7], $0x2FFFF;
	_ =	strace $0x9FFFFFFF  }
0xc2: {  	(tm) =	ssettm $0x7FFFFFFF  }
0xc3: {  	_ =	shalt  }
tec
execute0_lowered:
.L_overlay_start_1:
0x0: {  	(tag) =	ssettag $0x1  }
0x1: {  	s0 =	srdreg.scid;
	s1 =	rddreg [dreg:$0x0]  }
0x2: {  	s10 =	stileid.u32;
	s4 =	rddreg [dreg:$0x1];
	s2 =	simm.s32 $0x0  }
0x3: {  	s11 =	simm.s32 $0x7000;
	s15 =	simm.s32 $0x12540;
	s17 =	simm.s32 $0x12B80  }
0x4: {  	s19 =	simm.s32 $0x131C0;
	s21 =	simm.s32 $0x3;
	s23 =	simm.s32 $0x2  }
0x5: {  	s25 =	simm.s32 $0x4;
	s28 =	simm.s32 $0x1;
	s0 =	sand.u32 $0x1, s0  }
0x6: {  	s3 =	sshll.u32 s10, $0xA;
	s29 =	smul.u32 $0x32000, s10;
	s5 =	sshll.u32 s0, $0x9  }
0x7: {  	s6 =	ssub.s32 $0x2, s0;
	s0 =	smul.u32 $0x19000, s0;
	s5 =	sor.u32 s5, s3  }
0x8: {  	[smem:$0x7FF] =	sst s2;
	s8 =	sshrl.u32 s6, $0x1;
	s3 =	smul.u32 $0x7, s5  }
0x9: {  	s9 =	smul.u32 $0x640, s5;
	s26 =	ssub.s32 s6, s8;
	s6 =	sadd.s32 s29, s4  }
0xa: {  	_ =	strace $0x80000047;
	s5 =	smul.u32 $0xC8, s5;
	s0 =	sadd.s32 s0, s6  }
0xb: {  	s7 =	sadd.s32 s3, s1;
	s3 =	sadd.s32 $0xF42E00, s1;
	s1 =	smax.u32 s26, $0x1  }
.Ltmp0:
0xc: {  	s31 =	sadd.s32 s4, s5;
	[dreg:$0x5] =	wrdreg s1;
	(pc) =	sbr.rel .LBB2_1-.Ltmp0, $4  }
0xd: {  	s30 =	sshrl.u32 s9, $0x3;
	s7 =	sadd.s32 $0xA00, s7;
	[dreg:$0x6] =	wrdreg s31  }
0xe: {  	s0 =	sadd.s32 $0xC80, s0;
	[dreg:$0x3] =	wrdreg s7;
	s7 =	sadd.s32 s4, s30  }
0xf: {  	s10 =	simm.s32 $0x32;
	[dreg:$0x7] =	wrdreg s0;
	s7 =	sadd.s32 $0x18380, s7  }
0x10: {  	s0 =	simm.s32 $0xD400;
	s4 =	simm.s32 $0x0;
	[dreg:$0x4] =	wrdreg s7  }
.LBB2_6:
0x11: {  	_ =	swait.ge [sflag:s23], $0x6400  }
0x12: {  	[sflag:s23] =	ssyncset.done $0x0  }
0x13: {  	[sflag:s23] =	ssyncadd.s32 $0xFFFF9C00  }
0x14: {  	_ =	swait.ge [sflag:s21], $0x6400  }
0x15: {  	[sflag:s21] =	ssyncset.done $0x0  }
0x16: {  	s1 =	rddreg [dreg:$0x4];
	[sflag:s21] =	ssyncadd.s32 $0xFFFF9C00  }
0x17: {  	[hbm4b:s1+s2] =	stream.linear.scatter [tilespmem:s0], [sflag:$0x4], $0x6400, $0x38;
	[tilespmem:$0x13800] =	vst v63  }
0x18: {  	_ =	swait.ge [sflag:s25], $0x6400  }
0x19: {  	s4 =	rddreg [dreg:$0x8]  }
0x1a: {  	s31 =	rddreg [dreg:$0x5];
	s4 =	sadd.s32 $0x1, s4  }
0x1b: {  	p0 =	sne.s32 s4, s31  }
.Ltmp1:
0x1c: {  	_ = 	snop;
	(pc) =	sbr.rel @!p0 .LBB2_7-.Ltmp1, $3  }
0x1d: {  	_ =	sdelay $0x1  }
0x1e: {  	[sflag:s25] =	ssyncset.done $0x0  }
0x1f: {  	[sflag:s25] =	ssyncadd.s32 $0xFFFF9C00  }
.LBB2_1:
0x20: {  	[dreg:$0x8] =	wrdreg s4  }
0x21: {  	s1 =	rddreg [dreg:$0x3];
	s20 =	simm.s32 $0x5  }
0x22: {  	[tilespmem:s2], [sflag:$0x5] =	stream.linear.gather [hbm4b:s1+s2], $0x7000, $0x38;
	[tilespmem:$0x13800] =	vst v63  }
0x23: {  	_ =	swait.ge [sflag:s20], $0x7000  }
0x24: {  	[sflag:s20] =	ssyncset.done $0x0  }
0x25: {  	[sflag:s20] =	ssyncadd.s32 $0xFFFF9000  }
0x26: {  	[tilespmem:s11], [sflag:$0x1] =	stream.indirect.gather [hbm4b:s3+s10], $0x20, s2, s10, $0xb8;
	[tilespmem:$0x13800] =	vst v63  }
0x27: {  	s22 =	simm.s32 $0x38;
	s24 =	simm.s32 $0x7640  }
0x28: {  	[tilespmem:s24], [sflag:$0x1] =	stream.indirect.gather [hbm4b:s3+s10], $0x20, s22, s10, $0xb8;
	[tilespmem:$0x13800] =	vst v63  }
0x29: {  	s26 =	simm.s32 $0x70;
	s29 =	simm.s32 $0x7C80  }
0x2a: {  	[tilespmem:s29], [sflag:$0x1] =	stream.indirect.gather [hbm4b:s3+s10], $0x20, s26, s10, $0xb8;
	[tilespmem:$0x13800] =	vst v63  }
0x2b: {  	s30 =	simm.s32 $0xA8;
	s31 =	simm.s32 $0x82C0  }
0x2c: {  	[tilespmem:s31], [sflag:$0x1] =	stream.indirect.gather [hbm4b:s3+s10], $0x20, s30, s10, $0xb8;
	[tilespmem:$0x13800] =	vst v63  }
0x2d: {  	s4 =	simm.s32 $0xE0;
	s5 =	simm.s32 $0x8900  }
0x2e: {  	[tilespmem:s5], [sflag:$0x1] =	stream.indirect.gather [hbm4b:s3+s10], $0x20, s4, s10, $0xb8;
	[tilespmem:$0x13800] =	vst v63  }
0x2f: {  	s6 =	simm.s32 $0x118;
	s7 =	simm.s32 $0x8F40  }
0x30: {  	[tilespmem:s7], [sflag:$0x1] =	stream.indirect.gather [hbm4b:s3+s10], $0x20, s6, s10, $0xb8;
	[tilespmem:$0x13800] =	vst v63  }
0x31: {  	s8 =	simm.s32 $0x150;
	s9 =	simm.s32 $0x9580  }
0x32: {  	[tilespmem:s9], [sflag:$0x1] =	stream.indirect.gather [hbm4b:s3+s10], $0x20, s8, s10, $0xb8;
	[tilespmem:$0x13800] =	vst v63  }
0x33: {  	s12 =	simm.s32 $0x188;
	s13 =	simm.s32 $0x9BC0  }
0x34: {  	[tilespmem:s13], [sflag:$0x1] =	stream.indirect.gather [hbm4b:s3+s10], $0x20, s12, s10, $0xb8;
	[tilespmem:$0x13800] =	vst v63  }
0x35: {  	s14 =	simm.s32 $0x1C0;
	s16 =	simm.s32 $0xA200  }
0x36: {  	[tilespmem:s16], [sflag:$0x1] =	stream.indirect.gather [hbm4b:s3+s10], $0x20, s14, s10, $0xb8;
	[tilespmem:$0x13800] =	vst v63  }
0x37: {  	s18 =	simm.s32 $0x1F8;
	s20 =	simm.s32 $0xA840  }
0x38: {  	[tilespmem:s20], [sflag:$0x1] =	stream.indirect.gather [hbm4b:s3+s10], $0x20, s18, s10, $0xb8;
	[tilespmem:$0x13800] =	vst v63  }
0x39: {  	s22 =	simm.s32 $0x230;
	s24 =	simm.s32 $0xAE80  }
0x3a: {  	[tilespmem:s24], [sflag:$0x1] =	stream.indirect.gather [hbm4b:s3+s10], $0x20, s22, s10, $0xb8;
	[tilespmem:$0x13800] =	vst v63  }
0x3b: {  	s26 =	simm.s32 $0x268;
	s29 =	simm.s32 $0xB4C0  }
0x3c: {  	[tilespmem:s29], [sflag:$0x1] =	stream.indirect.gather [hbm4b:s3+s10], $0x20, s26, s10, $0xb8;
	[tilespmem:$0x13800] =	vst v63  }
0x3d: {  	s30 =	simm.s32 $0x2A0;
	s31 =	simm.s32 $0xBB00  }
0x3e: {  	[tilespmem:s31], [sflag:$0x1] =	stream.indirect.gather [hbm4b:s3+s10], $0x20, s30, s10, $0xb8;
	[tilespmem:$0x13800] =	vst v63  }
0x3f: {  	s5 =	simm.s32 $0x2D8;
	s6 =	simm.s32 $0xC140  }
0x40: {  	[tilespmem:s6], [sflag:$0x1] =	stream.indirect.gather [hbm4b:s3+s10], $0x20, s5, s10, $0xb8;
	[tilespmem:$0x13800] =	vst v63  }
0x41: {  	s7 =	simm.s32 $0x310;
	s8 =	simm.s32 $0xC780  }
0x42: {  	[tilespmem:s8], [sflag:$0x1] =	stream.indirect.gather [hbm4b:s3+s10], $0x20, s7, s10, $0xb8;
	[tilespmem:$0x13800] =	vst v63  }
0x43: {  	s9 =	simm.s32 $0x348;
	s12 =	simm.s32 $0xCDC0  }
0x44: {  	[tilespmem:s12], [sflag:$0x1] =	stream.indirect.gather [hbm4b:s3+s10], $0x20, s9, s10, $0xb8;
	[tilespmem:$0x13800] =	vst v63  }
0x45: {  	s13 =	simm.s32 $0x380  }
0x46: {  	[tilespmem:s0], [sflag:$0x2] =	stream.indirect.gather [hbm4b:s3+s10], $0x20, s13, s10, $0xb8;
	[tilespmem:$0x13800] =	vst v63  }
0x47: {  	s14 =	simm.s32 $0x3B8;
	s16 =	simm.s32 $0xDA40  }
0x48: {  	[tilespmem:s16], [sflag:$0x2] =	stream.indirect.gather [hbm4b:s3+s10], $0x20, s14, s10, $0xb8;
	[tilespmem:$0x13800] =	vst v63  }
0x49: {  	s18 =	simm.s32 $0x3F0;
	s20 =	simm.s32 $0xE080  }
0x4a: {  	[tilespmem:s20], [sflag:$0x2] =	stream.indirect.gather [hbm4b:s3+s10], $0x20, s18, s10, $0xb8;
	[tilespmem:$0x13800] =	vst v63  }
0x4b: {  	s22 =	simm.s32 $0x428;
	s24 =	simm.s32 $0xE6C0  }
0x4c: {  	[tilespmem:s24], [sflag:$0x2] =	stream.indirect.gather [hbm4b:s3+s10], $0x20, s22, s10, $0xb8;
	[tilespmem:$0x13800] =	vst v63  }
0x4d: {  	s26 =	simm.s32 $0x460;
	s29 =	simm.s32 $0xED00  }
0x4e: {  	[tilespmem:s29], [sflag:$0x2] =	stream.indirect.gather [hbm4b:s3+s10], $0x20, s26, s10, $0xb8;
	[tilespmem:$0x13800] =	vst v63  }
0x4f: {  	s30 =	simm.s32 $0x498;
	s31 =	simm.s32 $0xF340  }
0x50: {  	[tilespmem:s31], [sflag:$0x2] =	stream.indirect.gather [hbm4b:s3+s10], $0x20, s30, s10, $0xb8;
	[tilespmem:$0x13800] =	vst v63  }
0x51: {  	s4 =	simm.s32 $0x4D0;
	s5 =	simm.s32 $0xF980  }
0x52: {  	[tilespmem:s5], [sflag:$0x2] =	stream.indirect.gather [hbm4b:s3+s10], $0x20, s4, s10, $0xb8;
	[tilespmem:$0x13800] =	vst v63  }
0x53: {  	s6 =	simm.s32 $0x508;
	s7 =	simm.s32 $0xFFC0  }
0x54: {  	[tilespmem:s7], [sflag:$0x2] =	stream.indirect.gather [hbm4b:s3+s10], $0x20, s6, s10, $0xb8;
	[tilespmem:$0x13800] =	vst v63  }
0x55: {  	s8 =	simm.s32 $0x540;
	s9 =	simm.s32 $0x10600  }
0x56: {  	[tilespmem:s9], [sflag:$0x2] =	stream.indirect.gather [hbm4b:s3+s10], $0x20, s8, s10, $0xb8;
	[tilespmem:$0x13800] =	vst v63  }
0x57: {  	s12 =	simm.s32 $0x578;
	s13 =	simm.s32 $0x10C40  }
0x58: {  	[tilespmem:s13], [sflag:$0x2] =	stream.indirect.gather [hbm4b:s3+s10], $0x20, s12, s10, $0xb8;
	[tilespmem:$0x13800] =	vst v63  }
0x59: {  	s14 =	simm.s32 $0x5B0;
	s16 =	simm.s32 $0x11280  }
0x5a: {  	[tilespmem:s16], [sflag:$0x2] =	stream.indirect.gather [hbm4b:s3+s10], $0x20, s14, s10, $0xb8;
	[tilespmem:$0x13800] =	vst v63  }
0x5b: {  	s18 =	simm.s32 $0x5E8;
	s20 =	simm.s32 $0x118C0  }
0x5c: {  	[tilespmem:s20], [sflag:$0x2] =	stream.indirect.gather [hbm4b:s3+s10], $0x20, s18, s10, $0xb8;
	[tilespmem:$0x13800] =	vst v63  }
0x5d: {  	s22 =	simm.s32 $0x620;
	s24 =	simm.s32 $0x11F00  }
0x5e: {  	[tilespmem:s24], [sflag:$0x2] =	stream.indirect.gather [hbm4b:s3+s10], $0x20, s22, s10, $0xb8;
	[tilespmem:$0x13800] =	vst v63  }
0x5f: {  	s26 =	simm.s32 $0x658  }
0x60: {  	[tilespmem:s15], [sflag:$0x2] =	stream.indirect.gather [hbm4b:s3+s10], $0x20, s26, s10, $0xb8;
	[tilespmem:$0x13800] =	vst v63  }
0x61: {  	s29 =	simm.s32 $0x690  }
0x62: {  	[tilespmem:s17], [sflag:$0x2] =	stream.indirect.gather [hbm4b:s3+s10], $0x20, s29, s10, $0xb8;
	[tilespmem:$0x13800] =	vst v63  }
0x63: {  	s30 =	simm.s32 $0x6C8  }
0x64: {  	[tilespmem:s19], [sflag:$0x2] =	stream.indirect.gather [hbm4b:s3+s10], $0x20, s30, s10, $0xb8;
	[tilespmem:$0x13800] =	vst v63  }
.Ltmp2:
0x65: {  	_ = 	snop;
	(pc) =	sbr.rel .LBB2_2-.Ltmp2, $4  }
0x66: {  	_ =	swait.ge [sflag:s28], $0x6400  }
0x67: {  	s1 =	simm.s32 $0x0;
	[sflag:s28] =	ssyncset.done $0x0;
	s31 =	rddreg [dreg:$0x6]  }
0x68: {  	s16 =	simm.s32 $0x1;
	s12 =	rddreg [dreg:$0x7];
	[sflag:s28] =	ssyncadd.s32 $0xFFFF9C00  }
0x69: {  	[hbm4b:s31+s2] =	stream.linear.scatter [tilespmem:s11], [sflag:$0x3], $0x6400, $0x38;
	[tilespmem:$0x13800] =	vst v63  }
.LBB2_4:
0x6a: {  	_ =	swait.ge [sflag:s21], $0x6400  }
0x6b: {  	[sflag:s21] =	ssyncset.done $0x0  }
0x6c: {  	[sflag:s21] =	ssyncadd.s32 $0xFFFF9C00  }
0x6d: {  	[tilespmem:s11], [sflag:$0x1] =	stream.indirect.gather [hbm4b:s3+s10], $0x20, s13, s10, $0xb8;
	[tilespmem:$0x13800] =	vst v63  }
0x6e: {  	s13 =	simm.s32 $0x7640  }
0x6f: {  	[tilespmem:s13], [sflag:$0x1] =	stream.indirect.gather [hbm4b:s3+s10], $0x20, s9, s10, $0xb8;
	[tilespmem:$0x13800] =	vst v63  }
0x70: {  	s13 =	simm.s32 $0x7C80  }
0x71: {  	[tilespmem:s13], [sflag:$0x1] =	stream.indirect.gather [hbm4b:s3+s10], $0x20, s8, s10, $0xb8;
	[tilespmem:$0x13800] =	vst v63  }
0x72: {  	s13 =	simm.s32 $0x82C0  }
0x73: {  	[tilespmem:s13], [sflag:$0x1] =	stream.indirect.gather [hbm4b:s3+s10], $0x20, s7, s10, $0xb8;
	[tilespmem:$0x13800] =	vst v63  }
0x74: {  	s9 =	simm.s32 $0x8900  }
0x75: {  	[tilespmem:s9], [sflag:$0x1] =	stream.indirect.gather [hbm4b:s3+s10], $0x20, s6, s10, $0xb8;
	[tilespmem:$0x13800] =	vst v63  }
0x76: {  	s13 =	simm.s32 $0x8F40  }
0x77: {  	[tilespmem:s13], [sflag:$0x1] =	stream.indirect.gather [hbm4b:s3+s10], $0x20, s5, s10, $0xb8;
	[tilespmem:$0x13800] =	vst v63  }
0x78: {  	s6 =	simm.s32 $0x9580  }
0x79: {  	[tilespmem:s6], [sflag:$0x1] =	stream.indirect.gather [hbm4b:s3+s10], $0x20, s4, s10, $0xb8;
	[tilespmem:$0x13800] =	vst v63  }
0x7a: {  	s7 =	simm.s32 $0x9BC0  }
0x7b: {  	[tilespmem:s7], [sflag:$0x1] =	stream.indirect.gather [hbm4b:s3+s10], $0x20, s22, s10, $0xb8;
	[tilespmem:$0x13800] =	vst v63  }
0x7c: {  	s8 =	simm.s32 $0xA200  }
0x7d: {  	[tilespmem:s8], [sflag:$0x1] =	stream.indirect.gather [hbm4b:s3+s10], $0x20, s31, s10, $0xb8;
	[tilespmem:$0x13800] =	vst v63  }
0x7e: {  	s9 =	simm.s32 $0xA840  }
0x7f: {  	[tilespmem:s9], [sflag:$0x1] =	stream.indirect.gather [hbm4b:s3+s10], $0x20, s14, s10, $0xb8;
	[tilespmem:$0x13800] =	vst v63  }
0x80: {  	s13 =	simm.s32 $0xAE80  }
0x81: {  	[tilespmem:s13], [sflag:$0x1] =	stream.indirect.gather [hbm4b:s3+s10], $0x20, s26, s10, $0xb8;
	[tilespmem:$0x13800] =	vst v63  }
0x82: {  	s14 =	simm.s32 $0xB4C0  }
0x83: {  	[tilespmem:s14], [sflag:$0x1] =	stream.indirect.gather [hbm4b:s3+s10], $0x20, s18, s10, $0xb8;
	[tilespmem:$0x13800] =	vst v63  }
0x84: {  	s22 =	simm.s32 $0xBB00  }
0x85: {  	[tilespmem:s22], [sflag:$0x1] =	stream.indirect.gather [hbm4b:s3+s10], $0x20, s30, s10, $0xb8;
	[tilespmem:$0x13800] =	vst v63  }
0x86: {  	s26 =	simm.s32 $0xC140  }
0x87: {  	[tilespmem:s26], [sflag:$0x1] =	stream.indirect.gather [hbm4b:s3+s10], $0x20, s29, s10, $0xb8;
	[tilespmem:$0x13800] =	vst v63  }
0x88: {  	s30 =	simm.s32 $0xC780  }
0x89: {  	[tilespmem:s30], [sflag:$0x1] =	stream.indirect.gather [hbm4b:s3+s10], $0x20, s24, s10, $0xb8;
	[tilespmem:$0x13800] =	vst v63  }
0x8a: {  	s31 =	simm.s32 $0xCDC0  }
0x8b: {  	[tilespmem:s31], [sflag:$0x1] =	stream.indirect.gather [hbm4b:s3+s10], $0x20, s20, s10, $0xb8;
	[tilespmem:$0x13800] =	vst v63  }
0x8c: {  	_ =	swait.ge [sflag:s23], $0x6400  }
0x8d: {  	[sflag:s23] =	ssyncset.done $0x0  }
0x8e: {  	[sflag:s23] =	ssyncadd.s32 $0xFFFF9C00  }
0x8f: {  	[hbm4b:s12+s2] =	stream.linear.scatter [tilespmem:s0], [sflag:$0x4], $0x6400, $0x38;
	[tilespmem:$0x13800] =	vst v63  }
.LBB2_5:
0x90: {  	s1 =	sadd.s32 $0xE00, s1  }
0x91: {  	p0 =	sne.s32 s1, $0x1A400  }
.Ltmp3:
0x92: {  	_ = 	snop;
	(pc) =	sbr.rel @!p0 .LBB2_6-.Ltmp3, $2  }
0x93: {  	_ =	sdelay $0x2  }
0x94: {  	s16 =	sadd.s32 $0x1, s16;
	s12 =	sadd.s32 $0xC80, s12  }
.LBB2_2:
0x95: {  	s4 =	sand.u32 $0x1, s16;
	s20 =	sshra.s32 s1, $0x2  }
0x96: {  	p0 =	seq.s32 s4, $0x1;
	s13 =	sadd.s32 $0x700, s20;
	s9 =	sadd.s32 $0x738, s20  }
.Ltmp4:
0x97: {  	s8 =	sadd.s32 $0x770, s20;
	s7 =	sadd.s32 $0x7A8, s20;
	(pc) =	sbr.rel @p0 .LBB2_4-.Ltmp4, $4  }
0x98: {  	s6 =	sadd.s32 $0x7E0, s20;
	s5 =	sadd.s32 $0x818, s20;
	s4 =	sadd.s32 $0x850, s20  }
0x99: {  	s22 =	sadd.s32 $0x888, s20;
	s31 =	sadd.s32 $0x8C0, s20;
	s14 =	sadd.s32 $0x8F8, s20  }
0x9a: {  	s26 =	sadd.s32 $0x930, s20;
	s18 =	sadd.s32 $0x968, s20;
	s30 =	sadd.s32 $0x9A0, s20  }
0x9b: {  	s29 =	sadd.s32 $0x9D8, s20;
	s24 =	sadd.s32 $0xA10, s20;
	s20 =	sadd.s32 $0xA48, s20  }
0x9c: {  	_ =	swait.ge [sflag:s25], $0x6400  }
0x9d: {  	[sflag:s25] =	ssyncset.done $0x0  }
0x9e: {  	[sflag:s25] =	ssyncadd.s32 $0xFFFF9C00  }
0x9f: {  	[tilespmem:s0], [sflag:$0x2] =	stream.indirect.gather [hbm4b:s3+s10], $0x20, s13, s10, $0xb8;
	[tilespmem:$0x13800] =	vst v63  }
0xa0: {  	s13 =	simm.s32 $0xDA40  }
0xa1: {  	[tilespmem:s13], [sflag:$0x2] =	stream.indirect.gather [hbm4b:s3+s10], $0x20, s9, s10, $0xb8;
	[tilespmem:$0x13800] =	vst v63  }
0xa2: {  	s13 =	simm.s32 $0xE080  }
0xa3: {  	[tilespmem:s13], [sflag:$0x2] =	stream.indirect.gather [hbm4b:s3+s10], $0x20, s8, s10, $0xb8;
	[tilespmem:$0x13800] =	vst v63  }
0xa4: {  	s13 =	simm.s32 $0xE6C0  }
0xa5: {  	[tilespmem:s13], [sflag:$0x2] =	stream.indirect.gather [hbm4b:s3+s10], $0x20, s7, s10, $0xb8;
	[tilespmem:$0x13800] =	vst v63  }
0xa6: {  	s9 =	simm.s32 $0xED00  }
0xa7: {  	[tilespmem:s9], [sflag:$0x2] =	stream.indirect.gather [hbm4b:s3+s10], $0x20, s6, s10, $0xb8;
	[tilespmem:$0x13800] =	vst v63  }
0xa8: {  	s13 =	simm.s32 $0xF340  }
0xa9: {  	[tilespmem:s13], [sflag:$0x2] =	stream.indirect.gather [hbm4b:s3+s10], $0x20, s5, s10, $0xb8;
	[tilespmem:$0x13800] =	vst v63  }
0xaa: {  	s7 =	simm.s32 $0xF980  }
0xab: {  	[tilespmem:s7], [sflag:$0x2] =	stream.indirect.gather [hbm4b:s3+s10], $0x20, s4, s10, $0xb8;
	[tilespmem:$0x13800] =	vst v63  }
0xac: {  	s8 =	simm.s32 $0xFFC0  }
0xad: {  	[tilespmem:s8], [sflag:$0x2] =	stream.indirect.gather [hbm4b:s3+s10], $0x20, s22, s10, $0xb8;
	[tilespmem:$0x13800] =	vst v63  }
0xae: {  	s9 =	simm.s32 $0x10600  }
0xaf: {  	[tilespmem:s9], [sflag:$0x2] =	stream.indirect.gather [hbm4b:s3+s10], $0x20, s31, s10, $0xb8;
	[tilespmem:$0x13800] =	vst v63  }
0xb0: {  	s13 =	simm.s32 $0x10C40  }
0xb1: {  	[tilespmem:s13], [sflag:$0x2] =	stream.indirect.gather [hbm4b:s3+s10], $0x20, s14, s10, $0xb8;
	[tilespmem:$0x13800] =	vst v63  }
0xb2: {  	s22 =	simm.s32 $0x11280  }
0xb3: {  	[tilespmem:s22], [sflag:$0x2] =	stream.indirect.gather [hbm4b:s3+s10], $0x20, s26, s10, $0xb8;
	[tilespmem:$0x13800] =	vst v63  }
0xb4: {  	s26 =	simm.s32 $0x118C0  }
0xb5: {  	[tilespmem:s26], [sflag:$0x2] =	stream.indirect.gather [hbm4b:s3+s10], $0x20, s18, s10, $0xb8;
	[tilespmem:$0x13800] =	vst v63  }
0xb6: {  	s31 =	simm.s32 $0x11F00  }
0xb7: {  	[tilespmem:s31], [sflag:$0x2] =	stream.indirect.gather [hbm4b:s3+s10], $0x20, s30, s10, $0xb8;
	[tilespmem:$0x13800] =	vst v63  }
0xb8: {  	_ = 	snop  }
0xb9: {  	[tilespmem:s15], [sflag:$0x2] =	stream.indirect.gather [hbm4b:s3+s10], $0x20, s29, s10, $0xb8;
	[tilespmem:$0x13800] =	vst v63  }
0xba: {  	_ = 	snop  }
0xbb: {  	[tilespmem:s17], [sflag:$0x2] =	stream.indirect.gather [hbm4b:s3+s10], $0x20, s24, s10, $0xb8;
	[tilespmem:$0x13800] =	vst v63  }
0xbc: {  	_ = 	snop  }
0xbd: {  	[tilespmem:s19], [sflag:$0x2] =	stream.indirect.gather [hbm4b:s3+s10], $0x20, s20, s10, $0xb8;
	[tilespmem:$0x13800] =	vst v63  }
.Ltmp5:
0xbe: {  	_ = 	snop;
	(pc) =	sbr.rel .LBB2_5-.Ltmp5, $4  }
0xbf: {  	_ =	swait.ge [sflag:s28], $0x6400  }
0xc0: {  	[sflag:s28] =	ssyncset.done $0x0  }
0xc1: {  	[sflag:s28] =	ssyncadd.s32 $0xFFFF9C00  }
0xc2: {  	[hbm4b:s12+s2] =	stream.linear.scatter [tilespmem:s11], [sflag:$0x3], $0x6400, $0x38;
	[tilespmem:$0x13800] =	vst v63  }
.LBB2_7:
0xc3: {  	_ =	sfence.sel $0x180000  }
0xc4: {  	[bflag:$0x0] =	sbarrier.arrive $0xFFFF  }
0xc5: {  	_ =	strace $0x90000047  }
0xc6: {  	s0 =	stileid.u32;
	[bflag:$0x2] =	sbarrier.arrive $0xFFFF  }
0xc7: {  	p0 =	sne.s32 s0, $0x0;
	s0 =	rddreg [dreg:$0x2]  }
0xc8: {  	s0 =	sadd.s32 @!p0 $0x100000, s0  }
0xc9: {  	[sflag:s0] =	ssyncadd.tile.s32 @!p0 $0x1;
	_ =	shalt  }
.Lfunc_end2:
_tile_overlayer_lowered:
.L_overlay_start_2:
0xca: {  	(tag) =	ssettag $0x2  }
0xcb: {  	s0 =	rddreg [dreg:$0x0];
	s2 =	stileid.u32  }
0xcc: {  	s1 =	rddreg [dreg:$0x1];
	p0 =	sne.s32 s2, $0x0  }
0xcd: {  	s3 =	rddreg [dreg:$0x2];
	[bflag:$0x3] =	sbarrier.arrive $0xFFFF;
	s2 =	simm.s32 @!p0 $0x1C05  }
0xce: {  	[timem:s3], [sflag:s2] =	dma.local @!p0 [hbm:s0], s1  }
0xcf: {  	s0 =	simm.s32 @!p0 $0x5  }
0xd0: {  	_ =	swait.ge @!p0 [sflag:s0], s1  }
0xd1: {  	s1 =	ssub.s32 @!p0 $0x0, s1;
	[sflag:s0] =	ssyncset.done @!p0 $0x0  }
0xd2: {  	[sflag:s0] =	ssyncadd.s32 @!p0 s1  }
0xd3: {  	[bflag:$0x3] =	sbarrier.arrive $0xFFFF  }
0xd4: {  	_ =	shalt  }

// kernel: sparse-core-data-format-call.cloned.1.call-start
scs
called_computation_lowered:
.L_overlay_start_0:
0x0: {  	s2 =	sld [smem:$0x3FD9]  }
0x1: {  	s3 =	sld [smem:$0x3FFE];
	_ =	sdelay $0x1  }
0x2: {  	s1 =	srdreg.scid  }
0x3: {  	s0 =	sand.u32 $0x1, s1  }
0x4: {  	s18 =	sshll.u32 s0, $0xA;
	s2 =	sadd.s32 s3, s2  }
0x5: {  	s2 =	sadd.s32 s2, s18  }
0x6: {  	[smem:$0x3FC6] =	sst s2  }
0x7: {  	_ = 	snop  }
0x8: {  	s2 =	sld [smem:$0x3FD0];
	(tm) =	ssettm $0x1  }
0x9: {  	s19 =	sld [smem:$0x3FFB];
	_ =	sdelay $0x3  }
0xa: {  	_ =	strace s19  }
0xb: {  	s3 =	sld [smem:$0x3FFC];
	_ =	sdelay $0x3  }
0xc: {  	_ =	strace s3  }
0xd: {  	s3 =	sld [smem:$0x3FFD];
	_ =	sdelay $0x3  }
0xe: {  	_ =	strace s3  }
0xf: {  	_ =	strace $0x8FFFFFFF  }
0x10: {  	s20 =	sld [smem:$0x3FDB];
	_ =	sdelay $0x1  }
0x11: {  	s4 =	simm.s32 $_scs_section_size  }
0x12: {  	s5 =	simm.s32 $_size__tile_overlayer_lowered;
	s6 =	simm.s32 $_tile_overlayer_lowered  }
0x13: {  	s23 =	simm.s32 $0x1BFF;
	s22 =	sshll.u32 s6, $0x1;
	s3 =	sadd.s32 s4, s20  }
0x14: {  	s7 =	simm.s32 $0x0;
	s21 =	sshll.u32 s5, $0x1;
	s5 =	sadd.s32 s22, s3  }
0x15: {  	[timem:s7], [sflag:s23] =	dma.local [hbm:s5], s21  }
0x16: {  	_ =	swait.ge [sflag:s23], s21  }
0x17: {  	s4 =	ssub.s32 $0x0, s21;
	[sflag:s23] =	ssyncset.done $0x0  }
0x18: {  	[sflag:s23] =	ssyncadd.s32 s4;
	_ =	sdelay $0x1  }
0x19: {  	s24 =	simm.s32 $0x1B8B  }
0x1a: {  	_ =	swait.ge [sflag:s24], $0x1  }
0x1b: {  	[sflag:s24] =	ssyncset.done $0x0  }
0x1c: {  	s26 =	simm.s32 $0x1B8E;
	s25 =	sld [smem:$0x3FFE];
	[sflag:s24] =	ssyncadd.s32 $0xFFFFFFFF  }
0x1d: {  	s27 =	simm.s32 $execute0_lowered;
	[smem:$0x3FD2] =	sst s26  }
0x1e: {  	s5 =	sshll.u32 s27, $0x1;
	_ =	strace $0x80000049;
	[dreg:$0x1] =	wrdreg $0xFFFFFFFF  }
0x1f: {  	s28 =	simm.s32 $_size_execute0_lowered;
	s3 =	sadd.s32 s3, s5;
	[dreg:$0x0] =	wrdreg $0x0  }
0x20: {  	s5 =	sshll.u32 s28, $0x1;
	[dreg:$0x2] =	wrdreg s3  }
0x21: {  	[dreg:$0x3] =	wrdreg s5  }
0x22: {  	[dreg:$0x4] =	wrdreg $0xC0  }
0x23: {  	_ =	task [dreg:s7], $0x5FFFF  }
0x24: {  	[dreg:$0x1] =	wrdreg $0xFFFFFFFF  }
0x25: {  	[dreg:$0x0] =	wrdreg $0x60  }
0x26: {  	[dreg:$0x2] =	wrdreg s25  }
0x27: {  	[dreg:$0x3] =	wrdreg s2  }
0x28: {  	[dreg:$0x4] =	wrdreg $0x9  }
0x29: {  	_ =	task.clear_ibuf [dreg:s7], $0x5FFFF;
	_ =	strace $0x90000049  }
0x2a: {  	s29 =	simm.s32 $0x9;
	_ =	strace $0x8000004B  }
0x2b: {  	_ =	swait.ge [sflag:s29], $0x1  }
0x2c: {  	[sflag:s29] =	ssyncadd.s32 $0xFFFFFFFF  }
0x2d: {  	_ =	strace $0x9000004B  }
0x2e: {  	_ =	sfence  }
0x2f: {  	s30 =	sld [smem:$0x0];
	_ =	sdelay $0x2  }
0x30: {  	s31 =	sshll.u32 s1, $0xD;
	s1 =	sshrl.u32 s1, $0x2  }
0x31: {  	s3 =	sand.u32 $0x4000, s31;
	s1 =	sadd.s32 s1, s30  }
0x32: {  	s0 =	sor.u32 s3, s0;
	s1 =	sshll.u32 s1, $0x11  }
0x33: {  	s0 =	sor.u32 s1, s0  }
0x34: {  	s0 =	sadd.s32 $0x8F2B, s0  }
0x35: {  	[sflag:s0] =	ssyncadd.remote.s32 $0x1  }
0x36: {  	_ =	sfence.sel $0xFFFF  }
0x37: {  	[dreg:$0x0] =	wrdreg $0xFFFFFFFF;
	(pc) =	sbr.abs _section_cstart, $3  }
0x38: {  	[dreg:$0x1] =	wrdreg $0xFFFFFFFF  }
0x39: {  	_ =	task.clear_ibuf [dreg:s7], $0x2FFFF;
	_ =	strace $0x9FFFFFFF  }
0x3a: {  	(tm) =	ssettm $0x7FFFFFFF  }
0x3b: {  	_ =	shalt  }
tec
execute0_lowered:
.L_overlay_start_1:
0x0: {  	(tag) =	ssettag $0x1  }
0x1: {  	s0 =	srdreg.scid  }
0x2: {  	s1 =	sshll.u32 s0, $0x4  }
0x3: {  	s0 =	stileid.u32;
	s1 =	sand.u32 $0x10, s1  }
0x4: {  	s1 =	sor.u32 s0, s1  }
0x5: {  	s6 =	rddreg [dreg:$0x0];
	s4 =	simm.s32 $0x1;
	s2 =	sshll.u32 s1, $0x7  }
0x6: {  	s7 =	simm.s32 $0x2;
	s12 =	simm.s32 $0x0;
	s1 =	ssub.s32 $0x4000, s2  }
0x7: {  	s8 =	simm.s32 $0x20000;
	s13 =	simm.s32 $0x0;
	s3 =	sand.u32 $0xF80, s1  }
0x8: {  	s9 =	simm.s32 $0x0;
	s5 =	sshrl.u32 s1, $0xC;
	p0 =	sne.s32 s3, $0x0  }
.Ltmp0:
0x9: {  	s1 =	rddreg [dreg:$0x2];
	s4 =	simm.s32 @!p0 $0x0;
	(pc) =	sbr.rel .LBB1_1-.Ltmp0, $4  }
0xa: {  	s11 =	simm.s32 $0x0;
	s3 =	rddreg [dreg:$0x1];
	s5 =	sadd.s32 s4, s5  }
0xb: {  	_ =	strace $0x8000004A;
	s4 =	simm.s32 $0x1;
	s5 =	smul.u32 $0x32, s5  }
0xc: {  	s6 =	sadd.s32 $0xA00, s6;
	s10 =	smov.u32 s2;
	[sflag:s4] =	ssyncpa.u1 $0x0  }
0xd: {  	p0 =	por $0x0, $0x0;
	[sflag:s7] =	ssyncpa.u1 $0x0;
	s7 =	sor.u32 $0x1, s5  }
.LBB1_4:
0xe: {  	s16 =	sshll.u32 s13, $0x3;
	s17 =	sand.u32 $0x78, s13  }
0xf: {  	s30 =	sand.u32 $0xF800, s13;
	s12 =	sshll.u32 s12, $0x10;
	s16 =	sand.u32 $0x3C00, s16  }
0x10: {  	s31 =	sand.u32 $0x7, s13;
	s16 =	sor.u32 s17, s16;
	s17 =	sadd.s32 s3, s30  }
0x11: {  	s13 =	sshll.u32 s31, $0x12;
	s16 =	sshrl.u32 s16, $0x3;
	s12 =	sadd.s32 s12, s17  }
0x12: {  	[tilespmem:s15+$0x0 ss:$0x81] =	vst.msk $0xffff, v0;
	s13 =	sor.u32 $0x400, s13;
	s12 =	sadd.s32 s16, s12  }
0x13: {  	[hbm4b:s12+s13] =	stream.strided.scatter [tilespmem:s14], [sflag:$0x2], $0x1000, s8, s13, $0x20;
	[tilespmem:$0x4040] =	vst v63  }
.LBB1_5:
0x14: {  	s14 =	sadd.s32 $0x1, s9  }
0x15: {  	s12 =	sadd.s32 $0x1000, s10;
	s16 =	smov.u32 s10;
	p2 =	sgt.s32 s14, $0x31  }
0x16: {  	s16 =	smov.u32 @p2 s12  }
0x17: {  	s14 =	simm.s32 @p2 $0x0;
	p2 =	sgt.s32 s16, $0x3FFF  }
0x18: {  	s16 =	smov.u32 @p2 s2;
	p2 =	sne.s32 s11, s7  }
.Ltmp1:
0x19: {  	p1 =	slt.u32 s11, $0x2;
	(pc) =	sbr.rel @!p2 .LBB1_6-.Ltmp1, $4  }
0x1a: {  	s15 =	simm.s32 @!p1 $0x2  }
0x1b: {  	s13 =	smov.u32 s10;
	p0 =	por !p0, !p0;
	_ =	swait.ge @!p1 [sflag:s15], $0x1000  }
0x1c: {  	s12 =	smov.u32 s9;
	[sflag:s15] =	ssyncset.done @!p1 $0x0;
	s9 =	smov.u32 s14  }
0x1d: {  	s11 =	sadd.s32 $0x1, s11;
	[sflag:s15] =	ssyncadd.s32 @!p1 $0xFFFFF000;
	s10 =	smov.u32 s16  }
.LBB1_1:
0x1e: {  	p1 =	sge.u32 s11, s5  }
0x1f: {  	s14 =	sand.u32 @!p1 $0x1FFFFFF, s9  }
0x20: {  	s15 =	smulhi.u32 @!p1 $0x4924925, s14;
	_ =	sdelay $0x1  }
0x21: {  	s15 =	smul.u32 @!p1 $0x38, s15  }
0x22: {  	s16 =	sxor.u32 @!p1 $0xFFFFFFFF, s11;
	s17 =	smul.u32 @!p1 $0x380, s10  }
0x23: {  	s31 =	sadd.s32 $0xFFFFFFFF, s11;
	s16 =	sshll.u32 @!p1 s16, $0xC;
	s14 =	ssub.s32 @!p1 s14, s15  }
0x24: {  	s15 =	sand.u32 @!p1 $0x1000, s16;
	s16 =	sadd.s32 @!p1 s6, s17;
	s14 =	sshll.u32 @!p1 s14, $0x4  }
0x25: {  	s17 =	simm.s32 @!p1 $0x1C00;
	s14 =	sadd.s32 @!p1 s14, s16;
	s16 =	simm.s32 @!p1 $0x20  }
0x26: {  	[tilespmem:s15], [sflag:$0x1] =	stream.strided.gather @!p1 [hbm4b:s14+s16], $0x1000, s17, s16, $0x38;
	[tilespmem:$0x4040] =	vst v63  }
0x27: {  	p1 =	sge.u32 s31, s5  }
.Ltmp2:
0x28: {  	_ = 	snop;
	(pc) =	sbr.rel @p1 .LBB1_5-.Ltmp2, $1  }
0x29: {  	_ =	sdelay $0x3  }
0x2a: {  	s14 =	simm.s32 $0x1  }
0x2b: {  	_ =	swait.ge [sflag:s4], $0x1000;
	s14 =	simm.s32 @!p0 $0x0  }
0x2c: {  	[sflag:s4] =	ssyncset.done $0x0;
	s15 =	sshll.u32 s14, $0xC  }
0x2d: {  	[sflag:s4] =	ssyncadd.s32 $0xFFFFF000;
	s18 =	sor.u32 $0x10, s15  }
0x2e: {  	s14 =	smul.u32 $0x4080, s14;
	v1 =	vld [tilespmem:s18+$0x0]  }
0x2f: {  	s30 =	sand.u32 $0x1, s11;
	v0 =	vld [tilespmem:s18+$0xFFFFFFF0]  }
0x30: {  	s15 =	smul.u32 $0x4080, s30;
	s14 =	sshrl.u32 s14, $0x2  }
0x31: {  	s16 =	sor.u32 $0x2000, s14  }
0x32: {  	s31 =	sshrl.u32 s15, $0x2;
	s15 =	sadd.s32 $0x0, s16  }
0x33: {  	s17 =	simm.s32 $0x4;
	s18 =	sadd.s32 $0x20, s18;
	s14 =	sor.u32 $0x2000, s31;
	[tilespmem:s15+$0x810 ss:$0x81] =	vst.msk $0xffff, v1  }
.LBB1_3:
0x34: {  	v1 =	vld [tilespmem:s18+$0x0];
	p1 =	sne.s32 s17, $0x1FC;
	[tilespmem:s15+$0x0 ss:$0x81] =	vst.msk $0xffff, v0;
	s15 =	smov.u32 s17;
	s17 =	sadd.s32 $0x4, s17  }
.Ltmp3:
0x35: {  	v0 =	vld [tilespmem:s18+$0xFFFFFFF0];
	(pc) =	sbr.rel @p1 .LBB1_3-.Ltmp3, $4  }
0x36: {  	_ = 	snop  }
0x37: {  	s15 =	sshra.s32 s15, $0x2  }
0x38: {  	s15 =	sadd.s32 s15, s16  }
0x39: {  	s18 =	sadd.s32 $0x20, s18;
	[tilespmem:s15+$0x810 ss:$0x81] =	vst.msk $0xffff, v1  }
.Ltmp4:
0x3a: {  	_ = 	snop;
	(pc) =	sbr.rel .LBB1_4-.Ltmp4, $1  }
0x3b: {  	_ =	sdelay $0x3  }
.LBB1_6:
0x3c: {  	_ =	sfence.sel $0x180000  }
0x3d: {  	s2 =	simm.s32 $0x1;
	[bflag:$0x0] =	sbarrier.arrive $0xFFFF  }
0x3e: {  	s31 =	simm.s32 $0x2;
	[sflag:s2] =	ssyncpa.u1 $0x1  }
0x3f: {  	[sflag:s31] =	ssyncpa.u1 $0x1  }
0x40: {  	p0 =	sne.s32 s0, $0x0;
	_ =	strace $0x9000004A  }
0x41: {  	s0 =	sadd.s32 @!p0 $0x100000, s1;
	[bflag:$0x2] =	sbarrier.arrive $0xFFFF  }
0x42: {  	[sflag:s0] =	ssyncadd.tile.s32 @!p0 $0x1;
	_ =	shalt  }
.Lfunc_end1:
_tile_overlayer_lowered:
.L_overlay_start_2:
0x43: {  	(tag) =	ssettag $0x2  }
0x44: {  	s0 =	rddreg [dreg:$0x0];
	s2 =	stileid.u32  }
0x45: {  	s1 =	rddreg [dreg:$0x1];
	p0 =	sne.s32 s2, $0x0  }
0x46: {  	s3 =	rddreg [dreg:$0x2];
	[bflag:$0x3] =	sbarrier.arrive $0xFFFF;
	s2 =	simm.s32 @!p0 $0x1C01  }
0x47: {  	[timem:s3], [sflag:s2] =	dma.local @!p0 [hbm:s0], s1  }
0x48: {  	s0 =	simm.s32 @!p0 $0x1  }
0x49: {  	_ =	swait.ge @!p0 [sflag:s0], s1  }
0x4a: {  	s1 =	ssub.s32 @!p0 $0x0, s1;
	[sflag:s0] =	ssyncset.done @!p0 $0x0  }
0x4b: {  	[sflag:s0] =	ssyncadd.s32 @!p0 s1  }
0x4c: {  	[bflag:$0x3] =	sbarrier.arrive $0xFFFF  }
0x4d: {  	_ =	shalt  }

</sc_bundles>
